<compile_context>
chip_gen: v7x
topology: tpu7x:2x2x1
jax: 0.10.2.dev20260603
libtpu: 0.0.44.dev20260713+nightly
codegen_flags: <defaults>
</compile_context>

<pallas_src>
import functools

import jax
import jax.numpy as jnp
from jax import lax
from jax.experimental import pallas as pl
from jax.experimental.pallas import tpu as pltpu
from jax.experimental.pallas import tpu_sc as plsc

_N = 50000
_E = 800000
_C_IN = 8
_HID = 32
_T_IN = 6
_NLAYERS = 2

_NP = 50176
_NTILES = 16
_EB = 128
_NB = 396
_EPT = _NB * _EB
_EPAD = _NTILES * _EPT
_W = 12
_RPT = _NP // _NTILES
_BN = 1024



def _sc_prop_body(idx, zeros, table, out, iq, rows, isem, gsem, ssem, acc):
    cid = lax.axis_index("c")
    tid = lax.axis_index("s")
    row0 = tid * _RPT
    tbl = table.at[cid]

    pltpu.sync_copy(zeros.at[pl.ds(row0, _RPT)], acc.at[pl.ds(row0, _RPT)])
    plsc.subcore_barrier()

    _edge_pass(idx, tid, tbl, acc, iq, rows, isem, gsem, ssem)
    plsc.subcore_barrier()

    pltpu.sync_copy(acc.at[pl.ds(row0, _RPT)], out.at[cid, pl.ds(row0, _RPT)])


def _edge_pass(idx, tid, src, tgt, iq, rows, isem, gsem, ssem):
    @pl.loop(0, _NB // _W)
    def _egroup(g):
        j0 = g * _W
        pltpu.async_copy(idx.at[tid, pl.ds(j0, _W)], iq, isem.at[0]).wait()
        gds = [pltpu.async_copy(src.at[iq.at[k, 0]],
                                rows.at[pl.ds(k * _EB, _EB)], gsem.at[k])
               for k in range(_W)]
        sds = []
        for k in range(_W):
            gds[k].wait()
            sds.append(pltpu.async_copy(rows.at[pl.ds(k * _EB, _EB)],
                                        tgt.at[iq.at[k, 1]], ssem.at[k],
                                        add=True))
        for d in sds:
            d.wait()


def _sc_prop2_body(idx, zeros, table, scale, g1, u2, g2,
                   iq, rows, sbuf, isem, gsem, ssem, acc):
    cid = lax.axis_index("c")
    tid = lax.axis_index("s")
    row0 = tid * _RPT
    tbl = table.at[cid]

    pltpu.sync_copy(zeros.at[pl.ds(row0, _RPT)], acc.at[pl.ds(row0, _RPT)])
    plsc.subcore_barrier()
    _edge_pass(idx, tid, tbl, acc, iq, rows, isem, gsem, ssem)
    plsc.subcore_barrier()

    ch = 512
    chunks = [(k * ch, ch) for k in range(_RPT // ch)]
    if _RPT % ch:
        chunks.append((_RPT - _RPT % ch, _RPT % ch))
    outs = {0: [], 1: []}
    for i, (c0, cn) in enumerate(chunks):
        p = i & 1
        for d in outs[p]:
            d.wait()
        r0 = row0 + c0
        d1 = pltpu.async_copy(acc.at[pl.ds(r0, cn)],
                              rows.at[pl.ds(p * ch, cn)], gsem.at[p])
        dg = pltpu.async_copy(acc.at[pl.ds(r0, cn)],
                              g1.at[cid, pl.ds(r0, cn)], gsem.at[6 + p])
        d2 = pltpu.async_copy(scale.at[pl.ds(r0, cn)],
                              sbuf.at[pl.ds(p * ch, cn)], gsem.at[2 + p])
        d1.wait()
        dg.wait()
        dz = pltpu.async_copy(zeros.at[pl.ds(r0, cn)],
                              acc.at[pl.ds(r0, cn)], gsem.at[4 + p])
        d2.wait()

        def smul(i2, _):
            rows[p * ch + i2] = rows[p * ch + i2] * sbuf[p * ch + i2]
            return 0
        lax.fori_loop(0, cn, smul, 0)
        outs[p] = [
            pltpu.async_copy(rows.at[pl.ds(p * ch, cn)],
                             u2.at[cid, pl.ds(r0, cn)], ssem.at[2 + p]),
            dz,
        ]
    for p in (0, 1):
        for d in outs[p]:
            d.wait()
    plsc.subcore_barrier()

    _edge_pass(idx, tid, u2.at[cid], acc, iq, rows, isem, gsem, ssem)
    plsc.subcore_barrier()
    pltpu.sync_copy(acc.at[pl.ds(row0, _RPT)], g2.at[cid, pl.ds(row0, _RPT)])


@jax.jit
def _sc_prop2(idx, zeros, table, scale):
    mesh = plsc.VectorSubcoreMesh(core_axis_name="c", subcore_axis_name="s")
    f = pl.kernel(
        _sc_prop2_body,
        mesh=mesh,
        compiler_params=pltpu.CompilerParams(use_tc_tiling_on_sc=False),
        out_type=[jax.ShapeDtypeStruct((2, _NP, 16), jnp.float32),
                  jax.ShapeDtypeStruct((2, _NP, 16), jnp.float32),
                  jax.ShapeDtypeStruct((2, _NP, 16), jnp.float32)],
        scratch_types=[
            pltpu.VMEM((_W, 2, _EB), jnp.int32),
            pltpu.VMEM((_W * _EB, 16), jnp.float32),
            pltpu.VMEM((1024, 16), jnp.float32),
            pltpu.SemaphoreType.DMA((1,)),
            pltpu.SemaphoreType.DMA((_W,)),
            pltpu.SemaphoreType.DMA((_W,)),
            pltpu.VMEM_SHARED((_NP, 16), jnp.float32),
        ],
    )
    g1, _, g2 = f(idx, zeros, table, scale)
    return g1, g2


@jax.jit
def _sc_prop(idx, zeros, table):
    mesh = plsc.VectorSubcoreMesh(core_axis_name="c", subcore_axis_name="s")
    f = pl.kernel(
        _sc_prop_body,
        mesh=mesh,
        compiler_params=pltpu.CompilerParams(use_tc_tiling_on_sc=False),
        out_type=jax.ShapeDtypeStruct((2, _NP, 16), jnp.float32),
        scratch_types=[
            pltpu.VMEM((_W, 2, _EB), jnp.int32),
            pltpu.VMEM((_W * _EB, 16), jnp.float32),
            pltpu.SemaphoreType.DMA((1,)),
            pltpu.SemaphoreType.DMA((_W,)),
            pltpu.SemaphoreType.DMA((_W,)),
            pltpu.VMEM_SHARED((_NP, 16), jnp.float32),
        ],
    )
    return f(idx, zeros, table)



def _prep_body(deg_ref, h_ref, x_ref, dinv16_ref, mdinv2_ref, uh_ref,
               ux1_ref, ux2_ref):
    deg = deg_ref[:, 0:1]
    dinv = jnp.where(deg > 0.0, lax.rsqrt(jnp.where(deg > 0.0, deg, 1.0)), 0.0)
    d16 = jnp.broadcast_to(dinv, (deg.shape[0], 16))
    dinv16_ref[...] = d16
    mdinv2_ref[...] = -(d16 * d16)
    hb = h_ref[...]
    uh_ref[0] = d16 * hb[:, :16]
    uh_ref[1] = d16 * hb[:, 16:]
    xb = x_ref[...]
    ux1_ref[0] = d16 * xb[:, 0:16]
    ux1_ref[1] = d16 * xb[:, 16:32]
    ux2_ref[0] = d16 * xb[:, 32:48]
    ux2_ref[1] = jnp.zeros_like(d16)


@jax.jit
def _tc_prep(deg16, h_pad, x48_pad):
    nb = _NP // _BN
    return pl.pallas_call(
        _prep_body,
        grid=(nb,),
        in_specs=[
            pl.BlockSpec((_BN, 16), lambda i: (i, 0)),
            pl.BlockSpec((_BN, _HID), lambda i: (i, 0)),
            pl.BlockSpec((_BN, 48), lambda i: (i, 0)),
        ],
        out_specs=[
            pl.BlockSpec((_BN, 16), lambda i: (i, 0)),
            pl.BlockSpec((_BN, 16), lambda i: (i, 0)),
            pl.BlockSpec((2, _BN, 16), lambda i: (0, i, 0)),
            pl.BlockSpec((2, _BN, 16), lambda i: (0, i, 0)),
            pl.BlockSpec((2, _BN, 16), lambda i: (0, i, 0)),
        ],
        out_shape=[
            jax.ShapeDtypeStruct((_NP, 16), jnp.float32),
            jax.ShapeDtypeStruct((_NP, 16), jnp.float32),
            jax.ShapeDtypeStruct((2, _NP, 16), jnp.float32),
            jax.ShapeDtypeStruct((2, _NP, 16), jnp.float32),
            jax.ShapeDtypeStruct((2, _NP, 16), jnp.float32),
        ],
    )(deg16, h_pad, x48_pad)


def _cell_body(x_ref, o1x_ref, o2x_ref, h_ref, g1h_ref, g2h_ref, c_ref,
               d16_ref, wx_ref, wh_ref, b_ref, wc_ref,
               hout_ref, cout_ref, uout_ref):
    d16 = d16_ref[...]
    d8 = d16[:, :8]

    def dot(a, w):
        return jnp.dot(a, w, preferred_element_type=jnp.float32)

    z = (dot(x_ref[0], wx_ref[0:8])
         + dot(d8 * o1x_ref[0], wx_ref[8:16])
         + dot(d8 * o2x_ref[0], wx_ref[16:24])
         + dot(h_ref[...], wh_ref[0:32])
         + dot(d16 * g1h_ref[0], wh_ref[32:48])
         + dot(d16 * g1h_ref[1], wh_ref[48:64])
         + dot(d16 * g2h_ref[0], wh_ref[64:80])
         + dot(d16 * g2h_ref[1], wh_ref[80:96])
         + b_ref[...])
    cb = c_ref[...]
    wc = wc_ref[...]
    gi = jax.nn.sigmoid(z[:, 0:32] + wc[0:1, :] * cb)
    gf = jax.nn.sigmoid(z[:, 32:64] + wc[1:2, :] * cb)
    gt = jnp.tanh(z[:, 64:96])
    cn = gf * cb + gi * gt
    go = jax.nn.sigmoid(z[:, 96:128] + wc[2:3, :] * cn)
    hn = go * jnp.tanh(cn)
    hout_ref[...] = hn
    cout_ref[...] = cn
    uout_ref[0] = d16 * hn[:, :16]
    uout_ref[1] = d16 * hn[:, 16:]


@functools.partial(jax.jit, static_argnums=(0,))
def _tc_cell(t, x48, o1x, o2x, h, g1h, g2h, c, dinv16, wx, wh, b, wc):
    nb = _NP // _BN
    return pl.pallas_call(
        _cell_body,
        grid=(nb,),
        in_specs=[
            pl.BlockSpec((1, _BN, 8), lambda i: (t, i, 0)),
            pl.BlockSpec((1, _BN, 8), lambda i: (t, i, 0)),
            pl.BlockSpec((1, _BN, 8), lambda i: (t, i, 0)),
            pl.BlockSpec((_BN, _HID), lambda i: (i, 0)),
            pl.BlockSpec((2, _BN, 16), lambda i: (0, i, 0)),
            pl.BlockSpec((2, _BN, 16), lambda i: (0, i, 0)),
            pl.BlockSpec((_BN, _HID), lambda i: (i, 0)),
            pl.BlockSpec((_BN, 16), lambda i: (i, 0)),
            pl.BlockSpec((24, 128), lambda i: (0, 0)),
            pl.BlockSpec((96, 128), lambda i: (0, 0)),
            pl.BlockSpec((1, 128), lambda i: (0, 0)),
            pl.BlockSpec((3, _HID), lambda i: (0, 0)),
        ],
        out_specs=[
            pl.BlockSpec((_BN, _HID), lambda i: (i, 0)),
            pl.BlockSpec((_BN, _HID), lambda i: (i, 0)),
            pl.BlockSpec((2, _BN, 16), lambda i: (0, i, 0)),
        ],
        out_shape=[
            jax.ShapeDtypeStruct((_NP, _HID), jnp.float32),
            jax.ShapeDtypeStruct((_NP, _HID), jnp.float32),
            jax.ShapeDtypeStruct((2, _NP, 16), jnp.float32),
        ],
    )(x48, o1x, o2x, h, g1h, g2h, c, dinv16, wx, wh, b, wc)



def _cat_weights(p, prefix, cin):
    cols = []
    for g in ("i", "f", "c", "o"):
        w = p["W" + prefix + "_" + g]
        cols.append(jnp.concatenate([w[0] - w[2], -w[1], -2.0 * w[2]], axis=0))
    return jnp.concatenate(cols, axis=1)


def kernel(x, edge_index, h, c, params):
    p = params
    src = edge_index[0].astype(jnp.int32)
    dst = edge_index[1].astype(jnp.int32)
    self_m = src == dst
    n_i32 = jnp.int32(_N)
    srcg = jnp.where(self_m, n_i32, src)
    dstg = jnp.where(self_m, n_i32, dst)

    npad_e = _EPAD - _E
    padg = jnp.full((npad_e,), n_i32, jnp.int32)
    pads = (n_i32 + 1 + (jnp.arange(npad_e, dtype=jnp.int32)
                         % jnp.int32(_NP - _N - 1)))
    def lay(g, s):
        g = jnp.concatenate([g, padg]).reshape(_NTILES, _NB, 1, _EB)
        s = jnp.concatenate([s, pads]).reshape(_NTILES, _NB, 1, _EB)
        return jnp.concatenate([g, s], axis=2)
    idx_p = lay(srcg, dst)
    idx_d = lay(dstg, src)
    zz = jnp.zeros((_NP, 16), jnp.float32)

    h_pad = jnp.pad(h, ((0, _NP - _N), (0, 0)))
    c_pad = jnp.pad(c, ((0, _NP - _N), (0, 0)))
    x48 = x.reshape(_N, _C_IN, _T_IN).transpose(0, 2, 1).reshape(_N, 48)
    x48_pad = jnp.pad(x48, ((0, _NP - _N), (0, 0)))

    ones_tab = jnp.pad(jnp.ones((2, _N, 16), jnp.float32),
                       ((0, 0), (0, _NP - _N), (0, 0)))

    deg_out = _sc_prop(idx_d, zz, ones_tab)
    dinv16, mdinv2, uh, ux1, ux2 = _tc_prep(deg_out[0], h_pad, x48_pad)

    g1xa, g2xa = _sc_prop2(idx_p, zz, ux1, mdinv2)
    g1xb, g2xb = _sc_prop2(idx_p, zz, ux2, mdinv2)

    def to6(ga, gb):
        flat = jnp.concatenate([ga[0], ga[1], gb[0]], axis=1)
        return flat.reshape(_NP, _T_IN, _C_IN).transpose(1, 0, 2)
    o1x = to6(g1xa, g1xb)
    o2x = to6(g2xa, g2xb)
    x6 = x48_pad.reshape(_NP, _T_IN, _C_IN).transpose(1, 0, 2)

    wx = _cat_weights(p, "x", _C_IN)
    wh = _cat_weights(p, "h", _HID)
    b = jnp.concatenate([p["bx_" + g] + p["bh_" + g] + p["b_" + g]
                         for g in ("i", "f", "c", "o")]).reshape(1, 128)
    wc = jnp.stack([p["w_c_i"], p["w_c_f"], p["w_c_o"]])

    h_cur, c_cur, u_cur = h_pad, c_pad, uh
    hs, cs = [], []
    for t in range(_T_IN):
        for _ in range(_NLAYERS):
            g1h, g2h = _sc_prop2(idx_p, zz, u_cur, mdinv2)
            h_cur, c_cur, u_cur = _tc_cell(
                t, x6, o1x, o2x, h_cur, g1h, g2h, c_cur,
                dinv16, wx, wh, b, wc)
        hs.append(h_cur[:_N])
        cs.append(c_cur[:_N])
    return jnp.stack(hs), jnp.stack(cs)

# --- scband reference (transcript-rebuilt; emitter-appended) ---
"""Pipeline reference for scband-extraction-net-49615462203889 (READ-ONLY COPY).

The authoritative reference and input builder live on the scoring server;
editing this copy changes nothing except your own understanding.
"""

import jax, jax.numpy as jnp
import numpy as np

N = 50000
E = 800000
C_IN = 8
HID = 32
T_IN = 6
NLAYERS = 2
K = 3


def setup_inputs(seed: int = 0) -> dict:
    key = jax.random.key(seed)
    ks = jax.random.split(key, 24)
    x = jax.random.normal(ks[0], (N, C_IN * T_IN), dtype=jnp.float32)
    edge_index = jax.random.randint(ks[1], (2, E), 0, N)
    h = jax.random.normal(ks[2], (N, HID), dtype=jnp.float32)
    c = jax.random.normal(ks[3], (N, HID), dtype=jnp.float32)
    params = {}
    i = 4
    for g in ['i', 'f', 'c', 'o']:
        params['Wx_' + g] = jax.random.normal(ks[i], (K, C_IN, HID), dtype=jnp.float32) * 0.05; i += 1
        params['Wh_' + g] = jax.random.normal(ks[i], (K, HID, HID), dtype=jnp.float32) * 0.05; i += 1
        params['bx_' + g] = jnp.zeros((HID,), dtype=jnp.float32)
        params['bh_' + g] = jnp.zeros((HID,), dtype=jnp.float32)
        params['b_' + g] = jnp.zeros((HID,), dtype=jnp.float32)
    for g in ['i', 'f', 'o']:
        params['w_c_' + g] = jax.random.normal(ks[i], (HID,), dtype=jnp.float32) * 0.05; i += 1
    return {'x': x, 'edge_index': edge_index, 'h': h, 'c': c, 'params': params}


def _cheb_conv(v, src, dst, norm, W, b):
    # ChebConv K=3, sym normalization, lambda_max=2 => L_hat = -D^{-1/2} A D^{-1/2}
    Tx0 = v
    Tx1 = jnp.zeros_like(v).at[dst].add(norm[:, None] * Tx0[src])
    out = Tx0 @ W[0] + Tx1 @ W[1]
    Tx2 = 2.0 * (jnp.zeros_like(v).at[dst].add(norm[:, None] * Tx1[src])) - Tx0
    out = out + Tx2 @ W[2]
    return out + b


def _gconv_lstm_cell(x_t, h, c, src, dst, norm, p):
    I = jax.nn.sigmoid(
        _cheb_conv(x_t, src, dst, norm, p['Wx_i'], p['bx_i'])
        + _cheb_conv(h, src, dst, norm, p['Wh_i'], p['bh_i'])
        + p['w_c_i'] * c + p['b_i'])
    F = jax.nn.sigmoid(
        _cheb_conv(x_t, src, dst, norm, p['Wx_f'], p['bx_f'])
        + _cheb_conv(h, src, dst, norm, p['Wh_f'], p['bh_f'])
        + p['w_c_f'] * c + p['b_f'])
    T = jnp.tanh(
        _cheb_conv(x_t, src, dst, norm, p['Wx_c'], p['bx_c'])
        + _cheb_conv(h, src, dst, norm, p['Wh_c'], p['bh_c'])
        + p['b_c'])
    c_new = F * c + I * T
    O = jax.nn.sigmoid(
        _cheb_conv(x_t, src, dst, norm, p['Wx_o'], p['bx_o'])
        + _cheb_conv(h, src, dst, norm, p['Wh_o'], p['bh_o'])
        + p['w_c_o'] * c_new + p['b_o'])
    h_new = O * jnp.tanh(c_new)
    return h_new, c_new


def reference(x, edge_index, h, c, params):
    src = edge_index[0]
    dst = edge_index[1]
    # remove self-loops (PyG ChebConv does this before building the Laplacian)
    mask = (src != dst).astype(jnp.float32)
    deg = jnp.zeros((N,), dtype=jnp.float32).at[src].add(mask)
    dinv = jnp.where(deg > 0, 1.0 / jnp.sqrt(jnp.where(deg > 0, deg, 1.0)), 0.0)
    norm = -dinv[src] * dinv[dst] * mask
    x_ = x.reshape(N, C_IN, T_IN)
    Hs, Cs = [], []
    for t in range(T_IN):
        xt = x_[..., t]
        for _ in range(NLAYERS):
            h, c = _gconv_lstm_cell(xt, h, c, src, dst, norm, params)
            h = jax.lax.stop_gradient(h)  # mirrors h.detach()
            c = jax.lax.stop_gradient(c)  # mirrors c.detach()
        Hs.append(h)
        Cs.append(c)
    return jnp.stack(Hs), jnp.stack(Cs)

if __name__ == "__main__":
    import jax
    _d = setup_inputs()
    print(jax.jit(kernel)(*tuple(_d.values())))

</pallas_src>

<mosaic_0001>
#map = affine_map<(d0, d1) -> (0, 0, 0, 0)>
#map1 = affine_map<(d0, d1) -> (0, 0)>
#map2 = affine_map<(d0, d1) -> (0, 0, 0)>
module attributes {stable_mosaic.version = 14 : i64} {
  func.func @_sc_prop_body(%arg0: i32, %arg1: i32, %arg2: memref<16x396x2x128xi32, #tpu.memory_space<hbm>>, %arg3: memref<50176x16xf32, #tpu.memory_space<hbm>>, %arg4: memref<2x50176x16xf32, #tpu.memory_space<hbm>>, %arg5: memref<2x50176x16xf32, #tpu.memory_space<hbm>>, %arg6: memref<12x2x128xi32, #tpu.memory_space<vmem>>, %arg7: memref<1536x16xf32, #tpu.memory_space<vmem>>, %arg8: memref<1x!tpu.dma_semaphore, #tpu.memory_space<semaphore_mem>>, %arg9: memref<12x!tpu.dma_semaphore, #tpu.memory_space<semaphore_mem>>, %arg10: memref<12x!tpu.dma_semaphore, #tpu.memory_space<semaphore_mem>>, %arg11: memref<50176x16xf32, #tpu.memory_space<vmem_shared>>) attributes {dimension_semantics = [#tpu.dimension_semantics<core_parallel>, #tpu.dimension_semantics<subcore_parallel>], iteration_bounds = array<i64: 2, 16>, scalar_prefetch = 0 : i64, scratch_operands = 6 : i64, tpu.core_type = #tpu.core_type<sc_vector_subcore>, window_params = [{transform_indices = #map}, {transform_indices = #map1}, {transform_indices = #map2}, {transform_indices = #map2}]} {
    %mul3A = arith.constant 3136 : i32
    %mul3A_0 = arith.muli %arg1, %mul3A : i32
    "tpu.region"() ({
      %run_scoped3A = tpu.sem_alloc : memref<!tpu.dma_semaphore, #tpu.memory_space<semaphore_mem>>
      %dma_start3A = arith.constant 0 : i32
      %dma_start3A_6 = tpu.memref_slice %arg11[%mul3A_0, %dma_start3A] : memref<50176x16xf32, #tpu.memory_space<vmem_shared>> -> memref<3136x16xf32, #tpu.memory_space<vmem_shared>>
      %dma_start3A_7 = arith.constant 0 : i32
      %dma_start3A_8 = tpu.memref_slice %arg3[%mul3A_0, %dma_start3A_7] : memref<50176x16xf32, #tpu.memory_space<hbm>> -> memref<3136x16xf32, #tpu.memory_space<hbm>>
      tpu.enqueue_dma source(%dma_start3A_8 : memref<3136x16xf32, #tpu.memory_space<hbm>>) target(%dma_start3A_6 : memref<3136x16xf32, #tpu.memory_space<vmem_shared>>) target_semaphore(%run_scoped3A : memref<!tpu.dma_semaphore, #tpu.memory_space<semaphore_mem>>)
      %dma_wait3A = arith.constant 0 : i32
      %dma_wait3A_9 = tpu.memref_slice %arg11[%mul3A_0, %dma_wait3A] : memref<50176x16xf32, #tpu.memory_space<vmem_shared>> -> memref<3136x16xf32, #tpu.memory_space<vmem_shared>>
      %dma_wait3A_10 = arith.constant 0 : i32
      %dma_wait3A_11 = tpu.memref_slice %arg3[%mul3A_0, %dma_wait3A_10] : memref<50176x16xf32, #tpu.memory_space<hbm>> -> memref<3136x16xf32, #tpu.memory_space<hbm>>
      tpu.wait_dma2 semaphore(%run_scoped3A : memref<!tpu.dma_semaphore, #tpu.memory_space<semaphore_mem>>) src(%dma_wait3A_11 : memref<3136x16xf32, #tpu.memory_space<hbm>>) dst(%dma_wait3A_9 : memref<3136x16xf32, #tpu.memory_space<vmem_shared>>)
      tpu.yield
    }) : () -> ()
    %barrier3A = arith.constant 0 : index
    tpu.barrier barrier_id(%barrier3A)
    %scan3A = arith.constant 0 : i32
    %scan3A_1 = arith.constant 33 : i32
    %scan3A_2 = arith.addi %scan3A, %scan3A_1 : i32
    %scan3A_3 = arith.constant 1 : i32
    scf.for %scan3A_6 = %scan3A to %scan3A_2 step %scan3A_3  : i32 {
      %mul3A_7 = arith.constant 1 : i32
      %mul3A_8 = arith.muli %scan3A_6, %mul3A_7 : i32
      %add3A = arith.constant 0 : i32
      %add3A_9 = arith.addi %add3A, %mul3A_8 : i32
      %mul3A_10 = arith.constant 12 : i32
      %mul3A_11 = arith.muli %add3A_9, %mul3A_10 : i32
      %dma_start3A = arith.constant 0 : i32
      %dma_start3A_12 = arith.constant 0 : i32
      %dma_start3A_13 = arith.constant 0 : i32
      %dma_start3A_14 = tpu.memref_slice %arg2[%arg1, %mul3A_11, %dma_start3A_12, %dma_start3A_13] : memref<16x396x2x128xi32, #tpu.memory_space<hbm>> -> memref<1x12x2x128xi32, #tpu.memory_space<hbm>>
      %dma_start3A_15 = tpu.memref_squeeze %dma_start3A_14 : memref<1x12x2x128xi32, #tpu.memory_space<hbm>> -> memref<12x2x128xi32, #tpu.memory_space<hbm>>
      %dma_start3A_16 = tpu.memref_slice %arg8[%dma_start3A] : memref<1x!tpu.dma_semaphore, #tpu.memory_space<semaphore_mem>> -> memref<1x!tpu.dma_semaphore, #tpu.memory_space<semaphore_mem>>
      %dma_start3A_17 = tpu.memref_squeeze %dma_start3A_16 : memref<1x!tpu.dma_semaphore, #tpu.memory_space<semaphore_mem>> -> memref<!tpu.dma_semaphore, #tpu.memory_space<semaphore_mem>>
      %dma_start3A_18 = arith.constant 0 : i32
      %dma_start3A_19 = arith.constant 0 : i32
      %dma_start3A_20 = tpu.memref_slice %arg2[%arg1, %mul3A_11, %dma_start3A_18, %dma_start3A_19] : memref<16x396x2x128xi32, #tpu.memory_space<hbm>> -> memref<1x12x2x128xi32, #tpu.memory_space<hbm>>
      %dma_start3A_21 = tpu.memref_squeeze %dma_start3A_20 : memref<1x12x2x128xi32, #tpu.memory_space<hbm>> -> memref<12x2x128xi32, #tpu.memory_space<hbm>>
      tpu.enqueue_dma source(%dma_start3A_21 : memref<12x2x128xi32, #tpu.memory_space<hbm>>) target(%arg6 : memref<12x2x128xi32, #tpu.memory_space<vmem>>) target_semaphore(%dma_start3A_17 : memref<!tpu.dma_semaphore, #tpu.memory_space<semaphore_mem>>)
      %dma_wait3A = arith.constant 0 : i32
      %dma_wait3A_22 = arith.constant 0 : i32
      %dma_wait3A_23 = arith.constant 0 : i32
      %dma_wait3A_24 = tpu.memref_slice %arg2[%arg1, %mul3A_11, %dma_wait3A_22, %dma_wait3A_23] : memref<16x396x2x128xi32, #tpu.memory_space<hbm>> -> memref<1x12x2x128xi32, #tpu.memory_space<hbm>>
      %dma_wait3A_25 = tpu.memref_squeeze %dma_wait3A_24 : memref<1x12x2x128xi32, #tpu.memory_space<hbm>> -> memref<12x2x128xi32, #tpu.memory_space<hbm>>
      %dma_wait3A_26 = tpu.memref_slice %arg8[%dma_wait3A] : memref<1x!tpu.dma_semaphore, #tpu.memory_space<semaphore_mem>> -> memref<1x!tpu.dma_semaphore, #tpu.memory_space<semaphore_mem>>
      %dma_wait3A_27 = tpu.memref_squeeze %dma_wait3A_26 : memref<1x!tpu.dma_semaphore, #tpu.memory_space<semaphore_mem>> -> memref<!tpu.dma_semaphore, #tpu.memory_space<semaphore_mem>>
      %dma_wait3A_28 = arith.constant 0 : i32
      %dma_wait3A_29 = arith.constant 0 : i32
      %dma_wait3A_30 = tpu.memref_slice %arg2[%arg1, %mul3A_11, %dma_wait3A_28, %dma_wait3A_29] : memref<16x396x2x128xi32, #tpu.memory_space<hbm>> -> memref<1x12x2x128xi32, #tpu.memory_space<hbm>>
      %dma_wait3A_31 = tpu.memref_squeeze %dma_wait3A_30 : memref<1x12x2x128xi32, #tpu.memory_space<hbm>> -> memref<12x2x128xi32, #tpu.memory_space<hbm>>
      tpu.wait_dma2 semaphore(%dma_wait3A_27 : memref<!tpu.dma_semaphore, #tpu.memory_space<semaphore_mem>>) src(%dma_wait3A_31 : memref<12x2x128xi32, #tpu.memory_space<hbm>>) dst(%arg6 : memref<12x2x128xi32, #tpu.memory_space<vmem>>)
      %dma_start3A_32 = arith.constant 0 : i32
      %dma_start3A_33 = arith.constant 0 : i32
      %dma_start3A_34 = arith.constant 0 : i32
      %dma_start3A_35 = arith.constant 0 : i32
      %dma_start3A_36 = arith.constant 0 : i32
      %dma_start3A_37 = tpu.memref_slice %arg7[%dma_start3A_35, %dma_start3A_36] : memref<1536x16xf32, #tpu.memory_space<vmem>> -> memref<128x16xf32, #tpu.memory_space<vmem>>
      %dma_start3A_38 = arith.constant 0 : i32
      %dma_start3A_39 = tpu.memref_slice %arg6[%dma_start3A_32, %dma_start3A_33, %dma_start3A_38] : memref<12x2x128xi32, #tpu.memory_space<vmem>> -> memref<1x1x128xi32, #tpu.memory_space<vmem>>
      %dma_start3A_40 = tpu.memref_squeeze %dma_start3A_39 : memref<1x1x128xi32, #tpu.memory_space<vmem>> -> memref<128xi32, #tpu.memory_space<vmem>>
      %dma_start3A_41 = arith.constant 0 : i32
      %dma_start3A_42 = arith.constant 0 : i32
      %dma_start3A_43 = tpu.memref_slice %arg4[%arg0, %dma_start3A_41, %dma_start3A_42] : memref<2x50176x16xf32, #tpu.memory_space<hbm>> -> memref<1x50176x16xf32, #tpu.memory_space<hbm>>
      %dma_start3A_44 = tpu.memref_squeeze %dma_start3A_43 : memref<1x50176x16xf32, #tpu.memory_space<hbm>> -> memref<50176x16xf32, #tpu.memory_space<hbm>>
      %dma_start3A_45 = arith.constant 0 : i32
      %dma_start3A_46 = arith.constant 0 : i32
      %dma_start3A_47 = tpu.memref_slice %dma_start3A_44[%dma_start3A_45, %dma_start3A_46] : memref<50176x16xf32, #tpu.memory_space<hbm>> -> memref<50176x16xf32, #tpu.memory_space<hbm>>
      %dma_start3A_48 = tpu.memref_slice %arg9[%dma_start3A_34] : memref<12x!tpu.dma_semaphore, #tpu.memory_space<semaphore_mem>> -> memref<1x!tpu.dma_semaphore, #tpu.memory_space<semaphore_mem>>
      %dma_start3A_49 = tpu.memref_squeeze %dma_start3A_48 : memref<1x!tpu.dma_semaphore, #tpu.memory_space<semaphore_mem>> -> memref<!tpu.dma_semaphore, #tpu.memory_space<semaphore_mem>>
      tpu.enqueue_indirect_dma source(%dma_start3A_47 : memref<50176x16xf32, #tpu.memory_space<hbm>>) target(%dma_start3A_37 : memref<128x16xf32, #tpu.memory_space<vmem>>) offsets(%dma_start3A_40 : memref<128xi32, #tpu.memory_space<vmem>>) semaphore(%dma_start3A_49 : memref<!tpu.dma_semaphore, #tpu.memory_space<semaphore_mem>>)
      %dma_start3A_50 = arith.constant 1 : i32
      %dma_start3A_51 = arith.constant 0 : i32
      %dma_start3A_52 = arith.constant 1 : i32
      %dma_start3A_53 = arith.constant 128 : i32
      %dma_start3A_54 = arith.constant 0 : i32
      %dma_start3A_55 = tpu.memref_slice %arg7[%dma_start3A_53, %dma_start3A_54] : memref<1536x16xf32, #tpu.memory_space<vmem>> -> memref<128x16xf32, #tpu.memory_space<vmem>>
      %dma_start3A_56 = arith.constant 0 : i32
      %dma_start3A_57 = tpu.memref_slice %arg6[%dma_start3A_50, %dma_start3A_51, %dma_start3A_56] : memref<12x2x128xi32, #tpu.memory_space<vmem>> -> memref<1x1x128xi32, #tpu.memory_space<vmem>>
      %dma_start3A_58 = tpu.memref_squeeze %dma_start3A_57 : memref<1x1x128xi32, #tpu.memory_space<vmem>> -> memref<128xi32, #tpu.memory_space<vmem>>
      %dma_start3A_59 = arith.constant 0 : i32
      %dma_start3A_60 = arith.constant 0 : i32
      %dma_start3A_61 = tpu.memref_slice %arg4[%arg0, %dma_start3A_59, %dma_start3A_60] : memref<2x50176x16xf32, #tpu.memory_space<hbm>> -> memref<1x50176x16xf32, #tpu.memory_space<hbm>>
      %dma_start3A_62 = tpu.memref_squeeze %dma_start3A_61 : memref<1x50176x16xf32, #tpu.memory_space<hbm>> -> memref<50176x16xf32, #tpu.memory_space<hbm>>
      %dma_start3A_63 = arith.constant 0 : i32
      %dma_start3A_64 = arith.constant 0 : i32
      %dma_start3A_65 = tpu.memref_slice %dma_start3A_62[%dma_start3A_63, %dma_start3A_64] : memref<50176x16xf32, #tpu.memory_space<hbm>> -> memref<50176x16xf32, #tpu.memory_space<hbm>>
      %dma_start3A_66 = tpu.memref_slice %arg9[%dma_start3A_52] : memref<12x!tpu.dma_semaphore, #tpu.memory_space<semaphore_mem>> -> memref<1x!tpu.dma_semaphore, #tpu.memory_space<semaphore_mem>>
      %dma_start3A_67 = tpu.memref_squeeze %dma_start3A_66 : memref<1x!tpu.dma_semaphore, #tpu.memory_space<semaphore_mem>> -> memref<!tpu.dma_semaphore, #tpu.memory_space<semaphore_mem>>
      tpu.enqueue_indirect_dma source(%dma_start3A_65 : memref<50176x16xf32, #tpu.memory_space<hbm>>) target(%dma_start3A_55 : memref<128x16xf32, #tpu.memory_space<vmem>>) offsets(%dma_start3A_58 : memref<128xi32, #tpu.memory_space<vmem>>) semaphore(%dma_start3A_67 : memref<!tpu.dma_semaphore, #tpu.memory_space<semaphore_mem>>)
      %dma_start3A_68 = arith.constant 2 : i32
      %dma_start3A_69 = arith.constant 0 : i32
      %dma_start3A_70 = arith.constant 2 : i32
      %dma_start3A_71 = arith.constant 256 : i32
      %dma_start3A_72 = arith.constant 0 : i32
      %dma_start3A_73 = tpu.memref_slice %arg7[%dma_start3A_71, %dma_start3A_72] : memref<1536x16xf32, #tpu.memory_space<vmem>> -> memref<128x16xf32, #tpu.memory_space<vmem>>
      %dma_start3A_74 = arith.constant 0 : i32
      %dma_start3A_75 = tpu.memref_slice %arg6[%dma_start3A_68, %dma_start3A_69, %dma_start3A_74] : memref<12x2x128xi32, #tpu.memory_space<vmem>> -> memref<1x1x128xi32, #tpu.memory_space<vmem>>
      %dma_start3A_76 = tpu.memref_squeeze %dma_start3A_75 : memref<1x1x128xi32, #tpu.memory_space<vmem>> -> memref<128xi32, #tpu.memory_space<vmem>>
      %dma_start3A_77 = arith.constant 0 : i32
      %dma_start3A_78 = arith.constant 0 : i32
      %dma_start3A_79 = tpu.memref_slice %arg4[%arg0, %dma_start3A_77, %dma_start3A_78] : memref<2x50176x16xf32, #tpu.memory_space<hbm>> -> memref<1x50176x16xf32, #tpu.memory_space<hbm>>
      %dma_start3A_80 = tpu.memref_squeeze %dma_start3A_79 : memref<1x50176x16xf32, #tpu.memory_space<hbm>> -> memref<50176x16xf32, #tpu.memory_space<hbm>>
      %dma_start3A_81 = arith.constant 0 : i32
      %dma_start3A_82 = arith.constant 0 : i32
      %dma_start3A_83 = tpu.memref_slice %dma_start3A_80[%dma_start3A_81, %dma_start3A_82] : memref<50176x16xf32, #tpu.memory_space<hbm>> -> memref<50176x16xf32, #tpu.memory_space<hbm>>
      %dma_start3A_84 = tpu.memref_slice %arg9[%dma_start3A_70] : memref<12x!tpu.dma_semaphore, #tpu.memory_space<semaphore_mem>> -> memref<1x!tpu.dma_semaphore, #tpu.memory_space<semaphore_mem>>
      %dma_start3A_85 = tpu.memref_squeeze %dma_start3A_84 : memref<1x!tpu.dma_semaphore, #tpu.memory_space<semaphore_mem>> -> memref<!tpu.dma_semaphore, #tpu.memory_space<semaphore_mem>>
      tpu.enqueue_indirect_dma source(%dma_start3A_83 : memref<50176x16xf32, #tpu.memory_space<hbm>>) target(%dma_start3A_73 : memref<128x16xf32, #tpu.memory_space<vmem>>) offsets(%dma_start3A_76 : memref<128xi32, #tpu.memory_space<vmem>>) semaphore(%dma_start3A_85 : memref<!tpu.dma_semaphore, #tpu.memory_space<semaphore_mem>>)
      %dma_start3A_86 = arith.constant 3 : i32
      %dma_start3A_87 = arith.constant 0 : i32
      %dma_start3A_88 = arith.constant 3 : i32
      %dma_start3A_89 = arith.constant 384 : i32
      %dma_start3A_90 = arith.constant 0 : i32
      %dma_start3A_91 = tpu.memref_slice %arg7[%dma_start3A_89, %dma_start3A_90] : memref<1536x16xf32, #tpu.memory_space<vmem>> -> memref<128x16xf32, #tpu.memory_space<vmem>>
      %dma_start3A_92 = arith.constant 0 : i32
      %dma_start3A_93 = tpu.memref_slice %arg6[%dma_start3A_86, %dma_start3A_87, %dma_start3A_92] : memref<12x2x128xi32, #tpu.memory_space<vmem>> -> memref<1x1x128xi32, #tpu.memory_space<vmem>>
      %dma_start3A_94 = tpu.memref_squeeze %dma_start3A_93 : memref<1x1x128xi32, #tpu.memory_space<vmem>> -> memref<128xi32, #tpu.memory_space<vmem>>
      %dma_start3A_95 = arith.constant 0 : i32
      %dma_start3A_96 = arith.constant 0 : i32
      %dma_start3A_97 = tpu.memref_slice %arg4[%arg0, %dma_start3A_95, %dma_start3A_96] : memref<2x50176x16xf32, #tpu.memory_space<hbm>> -> memref<1x50176x16xf32, #tpu.memory_space<hbm>>
      %dma_start3A_98 = tpu.memref_squeeze %dma_start3A_97 : memref<1x50176x16xf32, #tpu.memory_space<hbm>> -> memref<50176x16xf32, #tpu.memory_space<hbm>>
      %dma_start3A_99 = arith.constant 0 : i32
      %dma_start3A_100 = arith.constant 0 : i32
      %dma_start3A_101 = tpu.memref_slice %dma_start3A_98[%dma_start3A_99, %dma_start3A_100] : memref<50176x16xf32, #tpu.memory_space<hbm>> -> memref<50176x16xf32, #tpu.memory_space<hbm>>
      %dma_start3A_102 = tpu.memref_slice %arg9[%dma_start3A_88] : memref<12x!tpu.dma_semaphore, #tpu.memory_space<semaphore_mem>> -> memref<1x!tpu.dma_semaphore, #tpu.memory_space<semaphore_mem>>
      %dma_start3A_103 = tpu.memref_squeeze %dma_start3A_102 : memref<1x!tpu.dma_semaphore, #tpu.memory_space<semaphore_mem>> -> memref<!tpu.dma_semaphore, #tpu.memory_space<semaphore_mem>>
      tpu.enqueue_indirect_dma source(%dma_start3A_101 : memref<50176x16xf32, #tpu.memory_space<hbm>>) target(%dma_start3A_91 : memref<128x16xf32, #tpu.memory_space<vmem>>) offsets(%dma_start3A_94 : memref<128xi32, #tpu.memory_space<vmem>>) semaphore(%dma_start3A_103 : memref<!tpu.dma_semaphore, #tpu.memory_space<semaphore_mem>>)
      %dma_start3A_104 = arith.constant 4 : i32
      %dma_start3A_105 = arith.constant 0 : i32
      %dma_start3A_106 = arith.constant 4 : i32
      %dma_start3A_107 = arith.constant 512 : i32
      %dma_start3A_108 = arith.constant 0 : i32
      %dma_start3A_109 = tpu.memref_slice %arg7[%dma_start3A_107, %dma_start3A_108] : memref<1536x16xf32, #tpu.memory_space<vmem>> -> memref<128x16xf32, #tpu.memory_space<vmem>>
      %dma_start3A_110 = arith.constant 0 : i32
      %dma_start3A_111 = tpu.memref_slice %arg6[%dma_start3A_104, %dma_start3A_105, %dma_start3A_110] : memref<12x2x128xi32, #tpu.memory_space<vmem>> -> memref<1x1x128xi32, #tpu.memory_space<vmem>>
      %dma_start3A_112 = tpu.memref_squeeze %dma_start3A_111 : memref<1x1x128xi32, #tpu.memory_space<vmem>> -> memref<128xi32, #tpu.memory_space<vmem>>
      %dma_start3A_113 = arith.constant 0 : i32
      %dma_start3A_114 = arith.constant 0 : i32
      %dma_start3A_115 = tpu.memref_slice %arg4[%arg0, %dma_start3A_113, %dma_start3A_114] : memref<2x50176x16xf32, #tpu.memory_space<hbm>> -> memref<1x50176x16xf32, #tpu.memory_space<hbm>>
      %dma_start3A_116 = tpu.memref_squeeze %dma_start3A_115 : memref<1x50176x16xf32, #tpu.memory_space<hbm>> -> memref<50176x16xf32, #tpu.memory_space<hbm>>
      %dma_start3A_117 = arith.constant 0 : i32
      %dma_start3A_118 = arith.constant 0 : i32
      %dma_start3A_119 = tpu.memref_slice %dma_start3A_116[%dma_start3A_117, %dma_start3A_118] : memref<50176x16xf32, #tpu.memory_space<hbm>> -> memref<50176x16xf32, #tpu.memory_space<hbm>>
      %dma_start3A_120 = tpu.memref_slice %arg9[%dma_start3A_106] : memref<12x!tpu.dma_semaphore, #tpu.memory_space<semaphore_mem>> -> memref<1x!tpu.dma_semaphore, #tpu.memory_space<semaphore_mem>>
      %dma_start3A_121 = tpu.memref_squeeze %dma_start3A_120 : memref<1x!tpu.dma_semaphore, #tpu.memory_space<semaphore_mem>> -> memref<!tpu.dma_semaphore, #tpu.memory_space<semaphore_mem>>
      tpu.enqueue_indirect_dma source(%dma_start3A_119 : memref<50176x16xf32, #tpu.memory_space<hbm>>) target(%dma_start3A_109 : memref<128x16xf32, #tpu.memory_space<vmem>>) offsets(%dma_start3A_112 : memref<128xi32, #tpu.memory_space<vmem>>) semaphore(%dma_start3A_121 : memref<!tpu.dma_semaphore, #tpu.memory_space<semaphore_mem>>)
      %dma_start3A_122 = arith.constant 5 : i32
      %dma_start3A_123 = arith.constant 0 : i32
      %dma_start3A_124 = arith.constant 5 : i32
      %dma_start3A_125 = arith.constant 640 : i32
      %dma_start3A_126 = arith.constant 0 : i32
      %dma_start3A_127 = tpu.memref_slice %arg7[%dma_start3A_125, %dma_start3A_126] : memref<1536x16xf32, #tpu.memory_space<vmem>> -> memref<128x16xf32, #tpu.memory_space<vmem>>
      %dma_start3A_128 = arith.constant 0 : i32
      %dma_start3A_129 = tpu.memref_slice %arg6[%dma_start3A_122, %dma_start3A_123, %dma_start3A_128] : memref<12x2x128xi32, #tpu.memory_space<vmem>> -> memref<1x1x128xi32, #tpu.memory_space<vmem>>
      %dma_start3A_130 = tpu.memref_squeeze %dma_start3A_129 : memref<1x1x128xi32, #tpu.memory_space<vmem>> -> memref<128xi32, #tpu.memory_space<vmem>>
      %dma_start3A_131 = arith.constant 0 : i32
      %dma_start3A_132 = arith.constant 0 : i32
      %dma_start3A_133 = tpu.memref_slice %arg4[%arg0, %dma_start3A_131, %dma_start3A_132] : memref<2x50176x16xf32, #tpu.memory_space<hbm>> -> memref<1x50176x16xf32, #tpu.memory_space<hbm>>
      %dma_start3A_134 = tpu.memref_squeeze %dma_start3A_133 : memref<1x50176x16xf32, #tpu.memory_space<hbm>> -> memref<50176x16xf32, #tpu.memory_space<hbm>>
      %dma_start3A_135 = arith.constant 0 : i32
      %dma_start3A_136 = arith.constant 0 : i32
      %dma_start3A_137 = tpu.memref_slice %dma_start3A_134[%dma_start3A_135, %dma_start3A_136] : memref<50176x16xf32, #tpu.memory_space<hbm>> -> memref<50176x16xf32, #tpu.memory_space<hbm>>
      %dma_start3A_138 = tpu.memref_slice %arg9[%dma_start3A_124] : memref<12x!tpu.dma_semaphore, #tpu.memory_space<semaphore_mem>> -> memref<1x!tpu.dma_semaphore, #tpu.memory_space<semaphore_mem>>
      %dma_start3A_139 = tpu.memref_squeeze %dma_start3A_138 : memref<1x!tpu.dma_semaphore, #tpu.memory_space<semaphore_mem>> -> memref<!tpu.dma_semaphore, #tpu.memory_space<semaphore_mem>>
      tpu.enqueue_indirect_dma source(%dma_start3A_137 : memref<50176x16xf32, #tpu.memory_space<hbm>>) target(%dma_start3A_127 : memref<128x16xf32, #tpu.memory_space<vmem>>) offsets(%dma_start3A_130 : memref<128xi32, #tpu.memory_space<vmem>>) semaphore(%dma_start3A_139 : memref<!tpu.dma_semaphore, #tpu.memory_space<semaphore_mem>>)
      %dma_start3A_140 = arith.constant 6 : i32
      %dma_start3A_141 = arith.constant 0 : i32
      %dma_start3A_142 = arith.constant 6 : i32
      %dma_start3A_143 = arith.constant 768 : i32
      %dma_start3A_144 = arith.constant 0 : i32
      %dma_start3A_145 = tpu.memref_slice %arg7[%dma_start3A_143, %dma_start3A_144] : memref<1536x16xf32, #tpu.memory_space<vmem>> -> memref<128x16xf32, #tpu.memory_space<vmem>>
      %dma_start3A_146 = arith.constant 0 : i32
      %dma_start3A_147 = tpu.memref_slice %arg6[%dma_start3A_140, %dma_start3A_141, %dma_start3A_146] : memref<12x2x128xi32, #tpu.memory_space<vmem>> -> memref<1x1x128xi32, #tpu.memory_space<vmem>>
      %dma_start3A_148 = tpu.memref_squeeze %dma_start3A_147 : memref<1x1x128xi32, #tpu.memory_space<vmem>> -> memref<128xi32, #tpu.memory_space<vmem>>
      %dma_start3A_149 = arith.constant 0 : i32
      %dma_start3A_150 = arith.constant 0 : i32
      %dma_start3A_151 = tpu.memref_slice %arg4[%arg0, %dma_start3A_149, %dma_start3A_150] : memref<2x50176x16xf32, #tpu.memory_space<hbm>> -> memref<1x50176x16xf32, #tpu.memory_space<hbm>>
      %dma_start3A_152 = tpu.memref_squeeze %dma_start3A_151 : memref<1x50176x16xf32, #tpu.memory_space<hbm>> -> memref<50176x16xf32, #tpu.memory_space<hbm>>
      %dma_start3A_153 = arith.constant 0 : i32
      %dma_start3A_154 = arith.constant 0 : i32
      %dma_start3A_155 = tpu.memref_slice %dma_start3A_152[%dma_start3A_153, %dma_start3A_154] : memref<50176x16xf32, #tpu.memory_space<hbm>> -> memref<50176x16xf32, #tpu.memory_space<hbm>>
      %dma_start3A_156 = tpu.memref_slice %arg9[%dma_start3A_142] : memref<12x!tpu.dma_semaphore, #tpu.memory_space<semaphore_mem>> -> memref<1x!tpu.dma_semaphore, #tpu.memory_space<semaphore_mem>>
      %dma_start3A_157 = tpu.memref_squeeze %dma_start3A_156 : memref<1x!tpu.dma_semaphore, #tpu.memory_space<semaphore_mem>> -> memref<!tpu.dma_semaphore, #tpu.memory_space<semaphore_mem>>
      tpu.enqueue_indirect_dma source(%dma_start3A_155 : memref<50176x16xf32, #tpu.memory_space<hbm>>) target(%dma_start3A_145 : memref<128x16xf32, #tpu.memory_space<vmem>>) offsets(%dma_start3A_148 : memref<128xi32, #tpu.memory_space<vmem>>) semaphore(%dma_start3A_157 : memref<!tpu.dma_semaphore, #tpu.memory_space<semaphore_mem>>)
      %dma_start3A_158 = arith.constant 7 : i32
      %dma_start3A_159 = arith.constant 0 : i32
      %dma_start3A_160 = arith.constant 7 : i32
      %dma_start3A_161 = arith.constant 896 : i32
      %dma_start3A_162 = arith.constant 0 : i32
      %dma_start3A_163 = tpu.memref_slice %arg7[%dma_start3A_161, %dma_start3A_162] : memref<1536x16xf32, #tpu.memory_space<vmem>> -> memref<128x16xf32, #tpu.memory_space<vmem>>
      %dma_start3A_164 = arith.constant 0 : i32
      %dma_start3A_165 = tpu.memref_slice %arg6[%dma_start3A_158, %dma_start3A_159, %dma_start3A_164] : memref<12x2x128xi32, #tpu.memory_space<vmem>> -> memref<1x1x128xi32, #tpu.memory_space<vmem>>
      %dma_start3A_166 = tpu.memref_squeeze %dma_start3A_165 : memref<1x1x128xi32, #tpu.memory_space<vmem>> -> memref<128xi32, #tpu.memory_space<vmem>>
      %dma_start3A_167 = arith.constant 0 : i32
      %dma_start3A_168 = arith.constant 0 : i32
      %dma_start3A_169 = tpu.memref_slice %arg4[%arg0, %dma_start3A_167, %dma_start3A_168] : memref<2x50176x16xf32, #tpu.memory_space<hbm>> -> memref<1x50176x16xf32, #tpu.memory_space<hbm>>
      %dma_start3A_170 = tpu.memref_squeeze %dma_start3A_169 : memref<1x50176x16xf32, #tpu.memory_space<hbm>> -> memref<50176x16xf32, #tpu.memory_space<hbm>>
      %dma_start3A_171 = arith.constant 0 : i32
      %dma_start3A_172 = arith.constant 0 : i32
      %dma_start3A_173 = tpu.memref_slice %dma_start3A_170[%dma_start3A_171, %dma_start3A_172] : memref<50176x16xf32, #tpu.memory_space<hbm>> -> memref<50176x16xf32, #tpu.memory_space<hbm>>
      %dma_start3A_174 = tpu.memref_slice %arg9[%dma_start3A_160] : memref<12x!tpu.dma_semaphore, #tpu.memory_space<semaphore_mem>> -> memref<1x!tpu.dma_semaphore, #tpu.memory_space<semaphore_mem>>
      %dma_start3A_175 = tpu.memref_squeeze %dma_start3A_174 : memref<1x!tpu.dma_semaphore, #tpu.memory_space<semaphore_mem>> -> memref<!tpu.dma_semaphore, #tpu.memory_space<semaphore_mem>>
      tpu.enqueue_indirect_dma source(%dma_start3A_173 : memref<50176x16xf32, #tpu.memory_space<hbm>>) target(%dma_start3A_163 : memref<128x16xf32, #tpu.memory_space<vmem>>) offsets(%dma_start3A_166 : memref<128xi32, #tpu.memory_space<vmem>>) semaphore(%dma_start3A_175 : memref<!tpu.dma_semaphore, #tpu.memory_space<semaphore_mem>>)
      %dma_start3A_176 = arith.constant 8 : i32
      %dma_start3A_177 = arith.constant 0 : i32
      %dma_start3A_178 = arith.constant 8 : i32
      %dma_start3A_179 = arith.constant 1024 : i32
      %dma_start3A_180 = arith.constant 0 : i32
      %dma_start3A_181 = tpu.memref_slice %arg7[%dma_start3A_179, %dma_start3A_180] : memref<1536x16xf32, #tpu.memory_space<vmem>> -> memref<128x16xf32, #tpu.memory_space<vmem>>
      %dma_start3A_182 = arith.constant 0 : i32
      %dma_start3A_183 = tpu.memref_slice %arg6[%dma_start3A_176, %dma_start3A_177, %dma_start3A_182] : memref<12x2x128xi32, #tpu.memory_space<vmem>> -> memref<1x1x128xi32, #tpu.memory_space<vmem>>
      %dma_start3A_184 = tpu.memref_squeeze %dma_start3A_183 : memref<1x1x128xi32, #tpu.memory_space<vmem>> -> memref<128xi32, #tpu.memory_space<vmem>>
      %dma_start3A_185 = arith.constant 0 : i32
      %dma_start3A_186 = arith.constant 0 : i32
      %dma_start3A_187 = tpu.memref_slice %arg4[%arg0, %dma_start3A_185, %dma_start3A_186] : memref<2x50176x16xf32, #tpu.memory_space<hbm>> -> memref<1x50176x16xf32, #tpu.memory_space<hbm>>
      %dma_start3A_188 = tpu.memref_squeeze %dma_start3A_187 : memref<1x50176x16xf32, #tpu.memory_space<hbm>> -> memref<50176x16xf32, #tpu.memory_space<hbm>>
      %dma_start3A_189 = arith.constant 0 : i32
      %dma_start3A_190 = arith.constant 0 : i32
      %dma_start3A_191 = tpu.memref_slice %dma_start3A_188[%dma_start3A_189, %dma_start3A_190] : memref<50176x16xf32, #tpu.memory_space<hbm>> -> memref<50176x16xf32, #tpu.memory_space<hbm>>
      %dma_start3A_192 = tpu.memref_slice %arg9[%dma_start3A_178] : memref<12x!tpu.dma_semaphore, #tpu.memory_space<semaphore_mem>> -> memref<1x!tpu.dma_semaphore, #tpu.memory_space<semaphore_mem>>
      %dma_start3A_193 = tpu.memref_squeeze %dma_start3A_192 : memref<1x!tpu.dma_semaphore, #tpu.memory_space<semaphore_mem>> -> memref<!tpu.dma_semaphore, #tpu.memory_space<semaphore_mem>>
      tpu.enqueue_indirect_dma source(%dma_start3A_191 : memref<50176x16xf32, #tpu.memory_space<hbm>>) target(%dma_start3A_181 : memref<128x16xf32, #tpu.memory_space<vmem>>) offsets(%dma_start3A_184 : memref<128xi32, #tpu.memory_space<vmem>>) semaphore(%dma_start3A_193 : memref<!tpu.dma_semaphore, #tpu.memory_space<semaphore_mem>>)
      %dma_start3A_194 = arith.constant 9 : i32
      %dma_start3A_195 = arith.constant 0 : i32
      %dma_start3A_196 = arith.constant 9 : i32
      %dma_start3A_197 = arith.constant 1152 : i32
      %dma_start3A_198 = arith.constant 0 : i32
      %dma_start3A_199 = tpu.memref_slice %arg7[%dma_start3A_197, %dma_start3A_198] : memref<1536x16xf32, #tpu.memory_space<vmem>> -> memref<128x16xf32, #tpu.memory_space<vmem>>
      %dma_start3A_200 = arith.constant 0 : i32
      %dma_start3A_201 = tpu.memref_slice %arg6[%dma_start3A_194, %dma_start3A_195, %dma_start3A_200] : memref<12x2x128xi32, #tpu.memory_space<vmem>> -> memref<1x1x128xi32, #tpu.memory_space<vmem>>
      %dma_start3A_202 = tpu.memref_squeeze %dma_start3A_201 : memref<1x1x128xi32, #tpu.memory_space<vmem>> -> memref<128xi32, #tpu.memory_space<vmem>>
      %dma_start3A_203 = arith.constant 0 : i32
      %dma_start3A_204 = arith.constant 0 : i32
      %dma_start3A_205 = tpu.memref_slice %arg4[%arg0, %dma_start3A_203, %dma_start3A_204] : memref<2x50176x16xf32, #tpu.memory_space<hbm>> -> memref<1x50176x16xf32, #tpu.memory_space<hbm>>
      %dma_start3A_206 = tpu.memref_squeeze %dma_start3A_205 : memref<1x50176x16xf32, #tpu.memory_space<hbm>> -> memref<50176x16xf32, #tpu.memory_space<hbm>>
      %dma_start3A_207 = arith.constant 0 : i32
      %dma_start3A_208 = arith.constant 0 : i32
      %dma_start3A_209 = tpu.memref_slice %dma_start3A_206[%dma_start3A_207, %dma_start3A_208] : memref<50176x16xf32, #tpu.memory_space<hbm>> -> memref<50176x16xf32, #tpu.memory_space<hbm>>
      %dma_start3A_210 = tpu.memref_slice %arg9[%dma_start3A_196] : memref<12x!tpu.dma_semaphore, #tpu.memory_space<semaphore_mem>> -> memref<1x!tpu.dma_semaphore, #tpu.memory_space<semaphore_mem>>
      %dma_start3A_211 = tpu.memref_squeeze %dma_start3A_210 : memref<1x!tpu.dma_semaphore, #tpu.memory_space<semaphore_mem>> -> memref<!tpu.dma_semaphore, #tpu.memory_space<semaphore_mem>>
      tpu.enqueue_indirect_dma source(%dma_start3A_209 : memref<50176x16xf32, #tpu.memory_space<hbm>>) target(%dma_start3A_199 : memref<128x16xf32, #tpu.memory_space<vmem>>) offsets(%dma_start3A_202 : memref<128xi32, #tpu.memory_space<vmem>>) semaphore(%dma_start3A_211 : memref<!tpu.dma_semaphore, #tpu.memory_space<semaphore_mem>>)
      %dma_start3A_212 = arith.constant 10 : i32
      %dma_start3A_213 = arith.constant 0 : i32
      %dma_start3A_214 = arith.constant 10 : i32
      %dma_start3A_215 = arith.constant 1280 : i32
      %dma_start3A_216 = arith.constant 0 : i32
      %dma_start3A_217 = tpu.memref_slice %arg7[%dma_start3A_215, %dma_start3A_216] : memref<1536x16xf32, #tpu.memory_space<vmem>> -> memref<128x16xf32, #tpu.memory_space<vmem>>
      %dma_start3A_218 = arith.constant 0 : i32
      %dma_start3A_219 = tpu.memref_slice %arg6[%dma_start3A_212, %dma_start3A_213, %dma_start3A_218] : memref<12x2x128xi32, #tpu.memory_space<vmem>> -> memref<1x1x128xi32, #tpu.memory_space<vmem>>
      %dma_start3A_220 = tpu.memref_squeeze %dma_start3A_219 : memref<1x1x128xi32, #tpu.memory_space<vmem>> -> memref<128xi32, #tpu.memory_space<vmem>>
      %dma_start3A_221 = arith.constant 0 : i32
      %dma_start3A_222 = arith.constant 0 : i32
      %dma_start3A_223 = tpu.memref_slice %arg4[%arg0, %dma_start3A_221, %dma_start3A_222] : memref<2x50176x16xf32, #tpu.memory_space<hbm>> -> memref<1x50176x16xf32, #tpu.memory_space<hbm>>
      %dma_start3A_224 = tpu.memref_squeeze %dma_start3A_223 : memref<1x50176x16xf32, #tpu.memory_space<hbm>> -> memref<50176x16xf32, #tpu.memory_space<hbm>>
      %dma_start3A_225 = arith.constant 0 : i32
      %dma_start3A_226 = arith.constant 0 : i32
      %dma_start3A_227 = tpu.memref_slice %dma_start3A_224[%dma_start3A_225, %dma_start3A_226] : memref<50176x16xf32, #tpu.memory_space<hbm>> -> memref<50176x16xf32, #tpu.memory_space<hbm>>
      %dma_start3A_228 = tpu.memref_slice %arg9[%dma_start3A_214] : memref<12x!tpu.dma_semaphore, #tpu.memory_space<semaphore_mem>> -> memref<1x!tpu.dma_semaphore, #tpu.memory_space<semaphore_mem>>
      %dma_start3A_229 = tpu.memref_squeeze %dma_start3A_228 : memref<1x!tpu.dma_semaphore, #tpu.memory_space<semaphore_mem>> -> memref<!tpu.dma_semaphore, #tpu.memory_space<semaphore_mem>>
      tpu.enqueue_indirect_dma source(%dma_start3A_227 : memref<50176x16xf32, #tpu.memory_space<hbm>>) target(%dma_start3A_217 : memref<128x16xf32, #tpu.memory_space<vmem>>) offsets(%dma_start3A_220 : memref<128xi32, #tpu.memory_space<vmem>>) semaphore(%dma_start3A_229 : memref<!tpu.dma_semaphore, #tpu.memory_space<semaphore_mem>>)
      %dma_start3A_230 = arith.constant 11 : i32
      %dma_start3A_231 = arith.constant 0 : i32
      %dma_start3A_232 = arith.constant 11 : i32
      %dma_start3A_233 = arith.constant 1408 : i32
      %dma_start3A_234 = arith.constant 0 : i32
      %dma_start3A_235 = tpu.memref_slice %arg7[%dma_start3A_233, %dma_start3A_234] : memref<1536x16xf32, #tpu.memory_space<vmem>> -> memref<128x16xf32, #tpu.memory_space<vmem>>
      %dma_start3A_236 = arith.constant 0 : i32
      %dma_start3A_237 = tpu.memref_slice %arg6[%dma_start3A_230, %dma_start3A_231, %dma_start3A_236] : memref<12x2x128xi32, #tpu.memory_space<vmem>> -> memref<1x1x128xi32, #tpu.memory_space<vmem>>
      %dma_start3A_238 = tpu.memref_squeeze %dma_start3A_237 : memref<1x1x128xi32, #tpu.memory_space<vmem>> -> memref<128xi32, #tpu.memory_space<vmem>>
      %dma_start3A_239 = arith.constant 0 : i32
      %dma_start3A_240 = arith.constant 0 : i32
      %dma_start3A_241 = tpu.memref_slice %arg4[%arg0, %dma_start3A_239, %dma_start3A_240] : memref<2x50176x16xf32, #tpu.memory_space<hbm>> -> memref<1x50176x16xf32, #tpu.memory_space<hbm>>
      %dma_start3A_242 = tpu.memref_squeeze %dma_start3A_241 : memref<1x50176x16xf32, #tpu.memory_space<hbm>> -> memref<50176x16xf32, #tpu.memory_space<hbm>>
      %dma_start3A_243 = arith.constant 0 : i32
      %dma_start3A_244 = arith.constant 0 : i32
      %dma_start3A_245 = tpu.memref_slice %dma_start3A_242[%dma_start3A_243, %dma_start3A_244] : memref<50176x16xf32, #tpu.memory_space<hbm>> -> memref<50176x16xf32, #tpu.memory_space<hbm>>
      %dma_start3A_246 = tpu.memref_slice %arg9[%dma_start3A_232] : memref<12x!tpu.dma_semaphore, #tpu.memory_space<semaphore_mem>> -> memref<1x!tpu.dma_semaphore, #tpu.memory_space<semaphore_mem>>
      %dma_start3A_247 = tpu.memref_squeeze %dma_start3A_246 : memref<1x!tpu.dma_semaphore, #tpu.memory_space<semaphore_mem>> -> memref<!tpu.dma_semaphore, #tpu.memory_space<semaphore_mem>>
      tpu.enqueue_indirect_dma source(%dma_start3A_245 : memref<50176x16xf32, #tpu.memory_space<hbm>>) target(%dma_start3A_235 : memref<128x16xf32, #tpu.memory_space<vmem>>) offsets(%dma_start3A_238 : memref<128xi32, #tpu.memory_space<vmem>>) semaphore(%dma_start3A_247 : memref<!tpu.dma_semaphore, #tpu.memory_space<semaphore_mem>>)
      %dma_wait3A_248 = arith.constant 0 : i32
      %dma_wait3A_249 = arith.constant 0 : i32
      %dma_wait3A_250 = arith.constant 0 : i32
      %dma_wait3A_251 = arith.constant 0 : i32
      %dma_wait3A_252 = arith.constant 0 : i32
      %dma_wait3A_253 = tpu.memref_slice %arg7[%dma_wait3A_251, %dma_wait3A_252] : memref<1536x16xf32, #tpu.memory_space<vmem>> -> memref<128x16xf32, #tpu.memory_space<vmem>>
      %dma_wait3A_254 = arith.constant 0 : i32
      %dma_wait3A_255 = tpu.memref_slice %arg6[%dma_wait3A_248, %dma_wait3A_249, %dma_wait3A_254] : memref<12x2x128xi32, #tpu.memory_space<vmem>> -> memref<1x1x128xi32, #tpu.memory_space<vmem>>
      %dma_wait3A_256 = tpu.memref_squeeze %dma_wait3A_255 : memref<1x1x128xi32, #tpu.memory_space<vmem>> -> memref<128xi32, #tpu.memory_space<vmem>>
      %dma_wait3A_257 = arith.constant 0 : i32
      %dma_wait3A_258 = arith.constant 0 : i32
      %dma_wait3A_259 = tpu.memref_slice %arg4[%arg0, %dma_wait3A_257, %dma_wait3A_258] : memref<2x50176x16xf32, #tpu.memory_space<hbm>> -> memref<1x50176x16xf32, #tpu.memory_space<hbm>>
      %dma_wait3A_260 = tpu.memref_squeeze %dma_wait3A_259 : memref<1x50176x16xf32, #tpu.memory_space<hbm>> -> memref<50176x16xf32, #tpu.memory_space<hbm>>
      %dma_wait3A_261 = arith.constant 0 : i32
      %dma_wait3A_262 = arith.constant 0 : i32
      %dma_wait3A_263 = tpu.memref_slice %dma_wait3A_260[%dma_wait3A_261, %dma_wait3A_262] : memref<50176x16xf32, #tpu.memory_space<hbm>> -> memref<50176x16xf32, #tpu.memory_space<hbm>>
      %dma_wait3A_264 = tpu.memref_slice %arg9[%dma_wait3A_250] : memref<12x!tpu.dma_semaphore, #tpu.memory_space<semaphore_mem>> -> memref<1x!tpu.dma_semaphore, #tpu.memory_space<semaphore_mem>>
      %dma_wait3A_265 = tpu.memref_squeeze %dma_wait3A_264 : memref<1x!tpu.dma_semaphore, #tpu.memory_space<semaphore_mem>> -> memref<!tpu.dma_semaphore, #tpu.memory_space<semaphore_mem>>
      tpu.wait_indirect_dma semaphore(%dma_wait3A_265 : memref<!tpu.dma_semaphore, #tpu.memory_space<semaphore_mem>>) src(%dma_wait3A_263 : memref<50176x16xf32, #tpu.memory_space<hbm>>) dst(%dma_wait3A_253 : memref<128x16xf32, #tpu.memory_space<vmem>>)
      %dma_start3A_266 = arith.constant 0 : i32
      %dma_start3A_267 = arith.constant 1 : i32
      %dma_start3A_268 = arith.constant 0 : i32
      %dma_start3A_269 = arith.constant 0 : i32
      %dma_start3A_270 = arith.constant 0 : i32
      %dma_start3A_271 = tpu.memref_slice %arg7[%dma_start3A_269, %dma_start3A_270] : memref<1536x16xf32, #tpu.memory_space<vmem>> -> memref<128x16xf32, #tpu.memory_space<vmem>>
      %dma_start3A_272 = arith.constant 0 : i32
      %dma_start3A_273 = tpu.memref_slice %arg6[%dma_start3A_266, %dma_start3A_267, %dma_start3A_272] : memref<12x2x128xi32, #tpu.memory_space<vmem>> -> memref<1x1x128xi32, #tpu.memory_space<vmem>>
      %dma_start3A_274 = tpu.memref_squeeze %dma_start3A_273 : memref<1x1x128xi32, #tpu.memory_space<vmem>> -> memref<128xi32, #tpu.memory_space<vmem>>
      %dma_start3A_275 = arith.constant 0 : i32
      %dma_start3A_276 = arith.constant 0 : i32
      %dma_start3A_277 = tpu.memref_slice %arg11[%dma_start3A_275, %dma_start3A_276] : memref<50176x16xf32, #tpu.memory_space<vmem_shared>> -> memref<50176x16xf32, #tpu.memory_space<vmem_shared>>
      %dma_start3A_278 = tpu.memref_slice %arg10[%dma_start3A_268] : memref<12x!tpu.dma_semaphore, #tpu.memory_space<semaphore_mem>> -> memref<1x!tpu.dma_semaphore, #tpu.memory_space<semaphore_mem>>
      %dma_start3A_279 = tpu.memref_squeeze %dma_start3A_278 : memref<1x!tpu.dma_semaphore, #tpu.memory_space<semaphore_mem>> -> memref<!tpu.dma_semaphore, #tpu.memory_space<semaphore_mem>>
      tpu.enqueue_indirect_dma source(%dma_start3A_271 : memref<128x16xf32, #tpu.memory_space<vmem>>) target(%dma_start3A_277 : memref<50176x16xf32, #tpu.memory_space<vmem_shared>>) offsets(%dma_start3A_274 : memref<128xi32, #tpu.memory_space<vmem>>) semaphore(%dma_start3A_279 : memref<!tpu.dma_semaphore, #tpu.memory_space<semaphore_mem>>) {add = true}
      %dma_wait3A_280 = arith.constant 1 : i32
      %dma_wait3A_281 = arith.constant 0 : i32
      %dma_wait3A_282 = arith.constant 1 : i32
      %dma_wait3A_283 = arith.constant 128 : i32
      %dma_wait3A_284 = arith.constant 0 : i32
      %dma_wait3A_285 = tpu.memref_slice %arg7[%dma_wait3A_283, %dma_wait3A_284] : memref<1536x16xf32, #tpu.memory_space<vmem>> -> memref<128x16xf32, #tpu.memory_space<vmem>>
      %dma_wait3A_286 = arith.constant 0 : i32
      %dma_wait3A_287 = tpu.memref_slice %arg6[%dma_wait3A_280, %dma_wait3A_281, %dma_wait3A_286] : memref<12x2x128xi32, #tpu.memory_space<vmem>> -> memref<1x1x128xi32, #tpu.memory_space<vmem>>
      %dma_wait3A_288 = tpu.memref_squeeze %dma_wait3A_287 : memref<1x1x128xi32, #tpu.memory_space<vmem>> -> memref<128xi32, #tpu.memory_space<vmem>>
      %dma_wait3A_289 = arith.constant 0 : i32
      %dma_wait3A_290 = arith.constant 0 : i32
      %dma_wait3A_291 = tpu.memref_slice %arg4[%arg0, %dma_wait3A_289, %dma_wait3A_290] : memref<2x50176x16xf32, #tpu.memory_space<hbm>> -> memref<1x50176x16xf32, #tpu.memory_space<hbm>>
      %dma_wait3A_292 = tpu.memref_squeeze %dma_wait3A_291 : memref<1x50176x16xf32, #tpu.memory_space<hbm>> -> memref<50176x16xf32, #tpu.memory_space<hbm>>
      %dma_wait3A_293 = arith.constant 0 : i32
      %dma_wait3A_294 = arith.constant 0 : i32
      %dma_wait3A_295 = tpu.memref_slice %dma_wait3A_292[%dma_wait3A_293, %dma_wait3A_294] : memref<50176x16xf32, #tpu.memory_space<hbm>> -> memref<50176x16xf32, #tpu.memory_space<hbm>>
      %dma_wait3A_296 = tpu.memref_slice %arg9[%dma_wait3A_282] : memref<12x!tpu.dma_semaphore, #tpu.memory_space<semaphore_mem>> -> memref<1x!tpu.dma_semaphore, #tpu.memory_space<semaphore_mem>>
      %dma_wait3A_297 = tpu.memref_squeeze %dma_wait3A_296 : memref<1x!tpu.dma_semaphore, #tpu.memory_space<semaphore_mem>> -> memref<!tpu.dma_semaphore, #tpu.memory_space<semaphore_mem>>
      tpu.wait_indirect_dma semaphore(%dma_wait3A_297 : memref<!tpu.dma_semaphore, #tpu.memory_space<semaphore_mem>>) src(%dma_wait3A_295 : memref<50176x16xf32, #tpu.memory_space<hbm>>) dst(%dma_wait3A_285 : memref<128x16xf32, #tpu.memory_space<vmem>>)
      %dma_start3A_298 = arith.constant 1 : i32
      %dma_start3A_299 = arith.constant 1 : i32
      %dma_start3A_300 = arith.constant 1 : i32
      %dma_start3A_301 = arith.constant 128 : i32
      %dma_start3A_302 = arith.constant 0 : i32
      %dma_start3A_303 = tpu.memref_slice %arg7[%dma_start3A_301, %dma_start3A_302] : memref<1536x16xf32, #tpu.memory_space<vmem>> -> memref<128x16xf32, #tpu.memory_space<vmem>>
      %dma_start3A_304 = arith.constant 0 : i32
      %dma_start3A_305 = tpu.memref_slice %arg6[%dma_start3A_298, %dma_start3A_299, %dma_start3A_304] : memref<12x2x128xi32, #tpu.memory_space<vmem>> -> memref<1x1x128xi32, #tpu.memory_space<vmem>>
      %dma_start3A_306 = tpu.memref_squeeze %dma_start3A_305 : memref<1x1x128xi32, #tpu.memory_space<vmem>> -> memref<128xi32, #tpu.memory_space<vmem>>
      %dma_start3A_307 = arith.constant 0 : i32
      %dma_start3A_308 = arith.constant 0 : i32
      %dma_start3A_309 = tpu.memref_slice %arg11[%dma_start3A_307, %dma_start3A_308] : memref<50176x16xf32, #tpu.memory_space<vmem_shared>> -> memref<50176x16xf32, #tpu.memory_space<vmem_shared>>
      %dma_start3A_310 = tpu.memref_slice %arg10[%dma_start3A_300] : memref<12x!tpu.dma_semaphore, #tpu.memory_space<semaphore_mem>> -> memref<1x!tpu.dma_semaphore, #tpu.memory_space<semaphore_mem>>
      %dma_start3A_311 = tpu.memref_squeeze %dma_start3A_310 : memref<1x!tpu.dma_semaphore, #tpu.memory_space<semaphore_mem>> -> memref<!tpu.dma_semaphore, #tpu.memory_space<semaphore_mem>>
      tpu.enqueue_indirect_dma source(%dma_start3A_303 : memref<128x16xf32, #tpu.memory_space<vmem>>) target(%dma_start3A_309 : memref<50176x16xf32, #tpu.memory_space<vmem_shared>>) offsets(%dma_start3A_306 : memref<128xi32, #tpu.memory_space<vmem>>) semaphore(%dma_start3A_311 : memref<!tpu.dma_semaphore, #tpu.memory_space<semaphore_mem>>) {add = true}
      %dma_wait3A_312 = arith.constant 2 : i32
      %dma_wait3A_313 = arith.constant 0 : i32
      %dma_wait3A_314 = arith.constant 2 : i32
      %dma_wait3A_315 = arith.constant 256 : i32
      %dma_wait3A_316 = arith.constant 0 : i32
      %dma_wait3A_317 = tpu.memref_slice %arg7[%dma_wait3A_315, %dma_wait3A_316] : memref<1536x16xf32, #tpu.memory_space<vmem>> -> memref<128x16xf32, #tpu.memory_space<vmem>>
      %dma_wait3A_318 = arith.constant 0 : i32
      %dma_wait3A_319 = tpu.memref_slice %arg6[%dma_wait3A_312, %dma_wait3A_313, %dma_wait3A_318] : memref<12x2x128xi32, #tpu.memory_space<vmem>> -> memref<1x1x128xi32, #tpu.memory_space<vmem>>
      %dma_wait3A_320 = tpu.memref_squeeze %dma_wait3A_319 : memref<1x1x128xi32, #tpu.memory_space<vmem>> -> memref<128xi32, #tpu.memory_space<vmem>>
      %dma_wait3A_321 = arith.constant 0 : i32
      %dma_wait3A_322 = arith.constant 0 : i32
      %dma_wait3A_323 = tpu.memref_slice %arg4[%arg0, %dma_wait3A_321, %dma_wait3A_322] : memref<2x50176x16xf32, #tpu.memory_space<hbm>> -> memref<1x50176x16xf32, #tpu.memory_space<hbm>>
      %dma_wait3A_324 = tpu.memref_squeeze %dma_wait3A_323 : memref<1x50176x16xf32, #tpu.memory_space<hbm>> -> memref<50176x16xf32, #tpu.memory_space<hbm>>
      %dma_wait3A_325 = arith.constant 0 : i32
      %dma_wait3A_326 = arith.constant 0 : i32
      %dma_wait3A_327 = tpu.memref_slice %dma_wait3A_324[%dma_wait3A_325, %dma_wait3A_326] : memref<50176x16xf32, #tpu.memory_space<hbm>> -> memref<50176x16xf32, #tpu.memory_space<hbm>>
      %dma_wait3A_328 = tpu.memref_slice %arg9[%dma_wait3A_314] : memref<12x!tpu.dma_semaphore, #tpu.memory_space<semaphore_mem>> -> memref<1x!tpu.dma_semaphore, #tpu.memory_space<semaphore_mem>>
      %dma_wait3A_329 = tpu.memref_squeeze %dma_wait3A_328 : memref<1x!tpu.dma_semaphore, #tpu.memory_space<semaphore_mem>> -> memref<!tpu.dma_semaphore, #tpu.memory_space<semaphore_mem>>
      tpu.wait_indirect_dma semaphore(%dma_wait3A_329 : memref<!tpu.dma_semaphore, #tpu.memory_space<semaphore_mem>>) src(%dma_wait3A_327 : memref<50176x16xf32, #tpu.memory_space<hbm>>) dst(%dma_wait3A_317 : memref<128x16xf32, #tpu.memory_space<vmem>>)
      %dma_start3A_330 = arith.constant 2 : i32
      %dma_start3A_331 = arith.constant 1 : i32
      %dma_start3A_332 = arith.constant 2 : i32
      %dma_start3A_333 = arith.constant 256 : i32
      %dma_start3A_334 = arith.constant 0 : i32
      %dma_start3A_335 = tpu.memref_slice %arg7[%dma_start3A_333, %dma_start3A_334] : memref<1536x16xf32, #tpu.memory_space<vmem>> -> memref<128x16xf32, #tpu.memory_space<vmem>>
      %dma_start3A_336 = arith.constant 0 : i32
      %dma_start3A_337 = tpu.memref_slice %arg6[%dma_start3A_330, %dma_start3A_331, %dma_start3A_336] : memref<12x2x128xi32, #tpu.memory_space<vmem>> -> memref<1x1x128xi32, #tpu.memory_space<vmem>>
      %dma_start3A_338 = tpu.memref_squeeze %dma_start3A_337 : memref<1x1x128xi32, #tpu.memory_space<vmem>> -> memref<128xi32, #tpu.memory_space<vmem>>
      %dma_start3A_339 = arith.constant 0 : i32
      %dma_start3A_340 = arith.constant 0 : i32
      %dma_start3A_341 = tpu.memref_slice %arg11[%dma_start3A_339, %dma_start3A_340] : memref<50176x16xf32, #tpu.memory_space<vmem_shared>> -> memref<50176x16xf32, #tpu.memory_space<vmem_shared>>
      %dma_start3A_342 = tpu.memref_slice %arg10[%dma_start3A_332] : memref<12x!tpu.dma_semaphore, #tpu.memory_space<semaphore_mem>> -> memref<1x!tpu.dma_semaphore, #tpu.memory_space<semaphore_mem>>
      %dma_start3A_343 = tpu.memref_squeeze %dma_start3A_342 : memref<1x!tpu.dma_semaphore, #tpu.memory_space<semaphore_mem>> -> memref<!tpu.dma_semaphore, #tpu.memory_space<semaphore_mem>>
      tpu.enqueue_indirect_dma source(%dma_start3A_335 : memref<128x16xf32, #tpu.memory_space<vmem>>) target(%dma_start3A_341 : memref<50176x16xf32, #tpu.memory_space<vmem_shared>>) offsets(%dma_start3A_338 : memref<128xi32, #tpu.memory_space<vmem>>) semaphore(%dma_start3A_343 : memref<!tpu.dma_semaphore, #tpu.memory_space<semaphore_mem>>) {add = true}
      %dma_wait3A_344 = arith.constant 3 : i32
      %dma_wait3A_345 = arith.constant 0 : i32
      %dma_wait3A_346 = arith.constant 3 : i32
      %dma_wait3A_347 = arith.constant 384 : i32
      %dma_wait3A_348 = arith.constant 0 : i32
      %dma_wait3A_349 = tpu.memref_slice %arg7[%dma_wait3A_347, %dma_wait3A_348] : memref<1536x16xf32, #tpu.memory_space<vmem>> -> memref<128x16xf32, #tpu.memory_space<vmem>>
      %dma_wait3A_350 = arith.constant 0 : i32
      %dma_wait3A_351 = tpu.memref_slice %arg6[%dma_wait3A_344, %dma_wait3A_345, %dma_wait3A_350] : memref<12x2x128xi32, #tpu.memory_space<vmem>> -> memref<1x1x128xi32, #tpu.memory_space<vmem>>
      %dma_wait3A_352 = tpu.memref_squeeze %dma_wait3A_351 : memref<1x1x128xi32, #tpu.memory_space<vmem>> -> memref<128xi32, #tpu.memory_space<vmem>>
      %dma_wait3A_353 = arith.constant 0 : i32
      %dma_wait3A_354 = arith.constant 0 : i32
      %dma_wait3A_355 = tpu.memref_slice %arg4[%arg0, %dma_wait3A_353, %dma_wait3A_354] : memref<2x50176x16xf32, #tpu.memory_space<hbm>> -> memref<1x50176x16xf32, #tpu.memory_space<hbm>>
      %dma_wait3A_356 = tpu.memref_squeeze %dma_wait3A_355 : memref<1x50176x16xf32, #tpu.memory_space<hbm>> -> memref<50176x16xf32, #tpu.memory_space<hbm>>
      %dma_wait3A_357 = arith.constant 0 : i32
      %dma_wait3A_358 = arith.constant 0 : i32
      %dma_wait3A_359 = tpu.memref_slice %dma_wait3A_356[%dma_wait3A_357, %dma_wait3A_358] : memref<50176x16xf32, #tpu.memory_space<hbm>> -> memref<50176x16xf32, #tpu.memory_space<hbm>>
      %dma_wait3A_360 = tpu.memref_slice %arg9[%dma_wait3A_346] : memref<12x!tpu.dma_semaphore, #tpu.memory_space<semaphore_mem>> -> memref<1x!tpu.dma_semaphore, #tpu.memory_space<semaphore_mem>>
      %dma_wait3A_361 = tpu.memref_squeeze %dma_wait3A_360 : memref<1x!tpu.dma_semaphore, #tpu.memory_space<semaphore_mem>> -> memref<!tpu.dma_semaphore, #tpu.memory_space<semaphore_mem>>
      tpu.wait_indirect_dma semaphore(%dma_wait3A_361 : memref<!tpu.dma_semaphore, #tpu.memory_space<semaphore_mem>>) src(%dma_wait3A_359 : memref<50176x16xf32, #tpu.memory_space<hbm>>) dst(%dma_wait3A_349 : memref<128x16xf32, #tpu.memory_space<vmem>>)
      %dma_start3A_362 = arith.constant 3 : i32
      %dma_start3A_363 = arith.constant 1 : i32
      %dma_start3A_364 = arith.constant 3 : i32
      %dma_start3A_365 = arith.constant 384 : i32
      %dma_start3A_366 = arith.constant 0 : i32
      %dma_start3A_367 = tpu.memref_slice %arg7[%dma_start3A_365, %dma_start3A_366] : memref<1536x16xf32, #tpu.memory_space<vmem>> -> memref<128x16xf32, #tpu.memory_space<vmem>>
      %dma_start3A_368 = arith.constant 0 : i32
      %dma_start3A_369 = tpu.memref_slice %arg6[%dma_start3A_362, %dma_start3A_363, %dma_start3A_368] : memref<12x2x128xi32, #tpu.memory_space<vmem>> -> memref<1x1x128xi32, #tpu.memory_space<vmem>>
      %dma_start3A_370 = tpu.memref_squeeze %dma_start3A_369 : memref<1x1x128xi32, #tpu.memory_space<vmem>> -> memref<128xi32, #tpu.memory_space<vmem>>
      %dma_start3A_371 = arith.constant 0 : i32
      %dma_start3A_372 = arith.constant 0 : i32
      %dma_start3A_373 = tpu.memref_slice %arg11[%dma_start3A_371, %dma_start3A_372] : memref<50176x16xf32, #tpu.memory_space<vmem_shared>> -> memref<50176x16xf32, #tpu.memory_space<vmem_shared>>
      %dma_start3A_374 = tpu.memref_slice %arg10[%dma_start3A_364] : memref<12x!tpu.dma_semaphore, #tpu.memory_space<semaphore_mem>> -> memref<1x!tpu.dma_semaphore, #tpu.memory_space<semaphore_mem>>
      %dma_start3A_375 = tpu.memref_squeeze %dma_start3A_374 : memref<1x!tpu.dma_semaphore, #tpu.memory_space<semaphore_mem>> -> memref<!tpu.dma_semaphore, #tpu.memory_space<semaphore_mem>>
      tpu.enqueue_indirect_dma source(%dma_start3A_367 : memref<128x16xf32, #tpu.memory_space<vmem>>) target(%dma_start3A_373 : memref<50176x16xf32, #tpu.memory_space<vmem_shared>>) offsets(%dma_start3A_370 : memref<128xi32, #tpu.memory_space<vmem>>) semaphore(%dma_start3A_375 : memref<!tpu.dma_semaphore, #tpu.memory_space<semaphore_mem>>) {add = true}
      %dma_wait3A_376 = arith.constant 4 : i32
      %dma_wait3A_377 = arith.constant 0 : i32
      %dma_wait3A_378 = arith.constant 4 : i32
      %dma_wait3A_379 = arith.constant 512 : i32
      %dma_wait3A_380 = arith.constant 0 : i32
      %dma_wait3A_381 = tpu.memref_slice %arg7[%dma_wait3A_379, %dma_wait3A_380] : memref<1536x16xf32, #tpu.memory_space<vmem>> -> memref<128x16xf32, #tpu.memory_space<vmem>>
      %dma_wait3A_382 = arith.constant 0 : i32
      %dma_wait3A_383 = tpu.memref_slice %arg6[%dma_wait3A_376, %dma_wait3A_377, %dma_wait3A_382] : memref<12x2x128xi32, #tpu.memory_space<vmem>> -> memref<1x1x128xi32, #tpu.memory_space<vmem>>
      %dma_wait3A_384 = tpu.memref_squeeze %dma_wait3A_383 : memref<1x1x128xi32, #tpu.memory_space<vmem>> -> memref<128xi32, #tpu.memory_space<vmem>>
      %dma_wait3A_385 = arith.constant 0 : i32
      %dma_wait3A_386 = arith.constant 0 : i32
      %dma_wait3A_387 = tpu.memref_slice %arg4[%arg0, %dma_wait3A_385, %dma_wait3A_386] : memref<2x50176x16xf32, #tpu.memory_space<hbm>> -> memref<1x50176x16xf32, #tpu.memory_space<hbm>>
      %dma_wait3A_388 = tpu.memref_squeeze %dma_wait3A_387 : memref<1x50176x16xf32, #tpu.memory_space<hbm>> -> memref<50176x16xf32, #tpu.memory_space<hbm>>
      %dma_wait3A_389 = arith.constant 0 : i32
      %dma_wait3A_390 = arith.constant 0 : i32
      %dma_wait3A_391 = tpu.memref_slice %dma_wait3A_388[%dma_wait3A_389, %dma_wait3A_390] : memref<50176x16xf32, #tpu.memory_space<hbm>> -> memref<50176x16xf32, #tpu.memory_space<hbm>>
      %dma_wait3A_392 = tpu.memref_slice %arg9[%dma_wait3A_378] : memref<12x!tpu.dma_semaphore, #tpu.memory_space<semaphore_mem>> -> memref<1x!tpu.dma_semaphore, #tpu.memory_space<semaphore_mem>>
      %dma_wait3A_393 = tpu.memref_squeeze %dma_wait3A_392 : memref<1x!tpu.dma_semaphore, #tpu.memory_space<semaphore_mem>> -> memref<!tpu.dma_semaphore, #tpu.memory_space<semaphore_mem>>
      tpu.wait_indirect_dma semaphore(%dma_wait3A_393 : memref<!tpu.dma_semaphore, #tpu.memory_space<semaphore_mem>>) src(%dma_wait3A_391 : memref<50176x16xf32, #tpu.memory_space<hbm>>) dst(%dma_wait3A_381 : memref<128x16xf32, #tpu.memory_space<vmem>>)
      %dma_start3A_394 = arith.constant 4 : i32
      %dma_start3A_395 = arith.constant 1 : i32
      %dma_start3A_396 = arith.constant 4 : i32
      %dma_start3A_397 = arith.constant 512 : i32
      %dma_start3A_398 = arith.constant 0 : i32
      %dma_start3A_399 = tpu.memref_slice %arg7[%dma_start3A_397, %dma_start3A_398] : memref<1536x16xf32, #tpu.memory_space<vmem>> -> memref<128x16xf32, #tpu.memory_space<vmem>>
      %dma_start3A_400 = arith.constant 0 : i32
      %dma_start3A_401 = tpu.memref_slice %arg6[%dma_start3A_394, %dma_start3A_395, %dma_start3A_400] : memref<12x2x128xi32, #tpu.memory_space<vmem>> -> memref<1x1x128xi32, #tpu.memory_space<vmem>>
      %dma_start3A_402 = tpu.memref_squeeze %dma_start3A_401 : memref<1x1x128xi32, #tpu.memory_space<vmem>> -> memref<128xi32, #tpu.memory_space<vmem>>
      %dma_start3A_403 = arith.constant 0 : i32
      %dma_start3A_404 = arith.constant 0 : i32
      %dma_start3A_405 = tpu.memref_slice %arg11[%dma_start3A_403, %dma_start3A_404] : memref<50176x16xf32, #tpu.memory_space<vmem_shared>> -> memref<50176x16xf32, #tpu.memory_space<vmem_shared>>
      %dma_start3A_406 = tpu.memref_slice %arg10[%dma_start3A_396] : memref<12x!tpu.dma_semaphore, #tpu.memory_space<semaphore_mem>> -> memref<1x!tpu.dma_semaphore, #tpu.memory_space<semaphore_mem>>
      %dma_start3A_407 = tpu.memref_squeeze %dma_start3A_406 : memref<1x!tpu.dma_semaphore, #tpu.memory_space<semaphore_mem>> -> memref<!tpu.dma_semaphore, #tpu.memory_space<semaphore_mem>>
      tpu.enqueue_indirect_dma source(%dma_start3A_399 : memref<128x16xf32, #tpu.memory_space<vmem>>) target(%dma_start3A_405 : memref<50176x16xf32, #tpu.memory_space<vmem_shared>>) offsets(%dma_start3A_402 : memref<128xi32, #tpu.memory_space<vmem>>) semaphore(%dma_start3A_407 : memref<!tpu.dma_semaphore, #tpu.memory_space<semaphore_mem>>) {add = true}
      %dma_wait3A_408 = arith.constant 5 : i32
      %dma_wait3A_409 = arith.constant 0 : i32
      %dma_wait3A_410 = arith.constant 5 : i32
      %dma_wait3A_411 = arith.constant 640 : i32
      %dma_wait3A_412 = arith.constant 0 : i32
      %dma_wait3A_413 = tpu.memref_slice %arg7[%dma_wait3A_411, %dma_wait3A_412] : memref<1536x16xf32, #tpu.memory_space<vmem>> -> memref<128x16xf32, #tpu.memory_space<vmem>>
      %dma_wait3A_414 = arith.constant 0 : i32
      %dma_wait3A_415 = tpu.memref_slice %arg6[%dma_wait3A_408, %dma_wait3A_409, %dma_wait3A_414] : memref<12x2x128xi32, #tpu.memory_space<vmem>> -> memref<1x1x128xi32, #tpu.memory_space<vmem>>
      %dma_wait3A_416 = tpu.memref_squeeze %dma_wait3A_415 : memref<1x1x128xi32, #tpu.memory_space<vmem>> -> memref<128xi32, #tpu.memory_space<vmem>>
      %dma_wait3A_417 = arith.constant 0 : i32
      %dma_wait3A_418 = arith.constant 0 : i32
      %dma_wait3A_419 = tpu.memref_slice %arg4[%arg0, %dma_wait3A_417, %dma_wait3A_418] : memref<2x50176x16xf32, #tpu.memory_space<hbm>> -> memref<1x50176x16xf32, #tpu.memory_space<hbm>>
      %dma_wait3A_420 = tpu.memref_squeeze %dma_wait3A_419 : memref<1x50176x16xf32, #tpu.memory_space<hbm>> -> memref<50176x16xf32, #tpu.memory_space<hbm>>
      %dma_wait3A_421 = arith.constant 0 : i32
      %dma_wait3A_422 = arith.constant 0 : i32
      %dma_wait3A_423 = tpu.memref_slice %dma_wait3A_420[%dma_wait3A_421, %dma_wait3A_422] : memref<50176x16xf32, #tpu.memory_space<hbm>> -> memref<50176x16xf32, #tpu.memory_space<hbm>>
      %dma_wait3A_424 = tpu.memref_slice %arg9[%dma_wait3A_410] : memref<12x!tpu.dma_semaphore, #tpu.memory_space<semaphore_mem>> -> memref<1x!tpu.dma_semaphore, #tpu.memory_space<semaphore_mem>>
      %dma_wait3A_425 = tpu.memref_squeeze %dma_wait3A_424 : memref<1x!tpu.dma_semaphore, #tpu.memory_space<semaphore_mem>> -> memref<!tpu.dma_semaphore, #tpu.memory_space<semaphore_mem>>
      tpu.wait_indirect_dma semaphore(%dma_wait3A_425 : memref<!tpu.dma_semaphore, #tpu.memory_space<semaphore_mem>>) src(%dma_wait3A_423 : memref<50176x16xf32, #tpu.memory_space<hbm>>) dst(%dma_wait3A_413 : memref<128x16xf32, #tpu.memory_space<vmem>>)
      %dma_start3A_426 = arith.constant 5 : i32
      %dma_start3A_427 = arith.constant 1 : i32
      %dma_start3A_428 = arith.constant 5 : i32
      %dma_start3A_429 = arith.constant 640 : i32
      %dma_start3A_430 = arith.constant 0 : i32
      %dma_start3A_431 = tpu.memref_slice %arg7[%dma_start3A_429, %dma_start3A_430] : memref<1536x16xf32, #tpu.memory_space<vmem>> -> memref<128x16xf32, #tpu.memory_space<vmem>>
      %dma_start3A_432 = arith.constant 0 : i32
      %dma_start3A_433 = tpu.memref_slice %arg6[%dma_start3A_426, %dma_start3A_427, %dma_start3A_432] : memref<12x2x128xi32, #tpu.memory_space<vmem>> -> memref<1x1x128xi32, #tpu.memory_space<vmem>>
      %dma_start3A_434 = tpu.memref_squeeze %dma_start3A_433 : memref<1x1x128xi32, #tpu.memory_space<vmem>> -> memref<128xi32, #tpu.memory_space<vmem>>
      %dma_start3A_435 = arith.constant 0 : i32
      %dma_start3A_436 = arith.constant 0 : i32
      %dma_start3A_437 = tpu.memref_slice %arg11[%dma_start3A_435, %dma_start3A_436] : memref<50176x16xf32, #tpu.memory_space<vmem_shared>> -> memref<50176x16xf32, #tpu.memory_space<vmem_shared>>
      %dma_start3A_438 = tpu.memref_slice %arg10[%dma_start3A_428] : memref<12x!tpu.dma_semaphore, #tpu.memory_space<semaphore_mem>> -> memref<1x!tpu.dma_semaphore, #tpu.memory_space<semaphore_mem>>
      %dma_start3A_439 = tpu.memref_squeeze %dma_start3A_438 : memref<1x!tpu.dma_semaphore, #tpu.memory_space<semaphore_mem>> -> memref<!tpu.dma_semaphore, #tpu.memory_space<semaphore_mem>>
      tpu.enqueue_indirect_dma source(%dma_start3A_431 : memref<128x16xf32, #tpu.memory_space<vmem>>) target(%dma_start3A_437 : memref<50176x16xf32, #tpu.memory_space<vmem_shared>>) offsets(%dma_start3A_434 : memref<128xi32, #tpu.memory_space<vmem>>) semaphore(%dma_start3A_439 : memref<!tpu.dma_semaphore, #tpu.memory_space<semaphore_mem>>) {add = true}
      %dma_wait3A_440 = arith.constant 6 : i32
      %dma_wait3A_441 = arith.constant 0 : i32
      %dma_wait3A_442 = arith.constant 6 : i32
      %dma_wait3A_443 = arith.constant 768 : i32
      %dma_wait3A_444 = arith.constant 0 : i32
      %dma_wait3A_445 = tpu.memref_slice %arg7[%dma_wait3A_443, %dma_wait3A_444] : memref<1536x16xf32, #tpu.memory_space<vmem>> -> memref<128x16xf32, #tpu.memory_space<vmem>>
      %dma_wait3A_446 = arith.constant 0 : i32
      %dma_wait3A_447 = tpu.memref_slice %arg6[%dma_wait3A_440, %dma_wait3A_441, %dma_wait3A_446] : memref<12x2x128xi32, #tpu.memory_space<vmem>> -> memref<1x1x128xi32, #tpu.memory_space<vmem>>
      %dma_wait3A_448 = tpu.memref_squeeze %dma_wait3A_447 : memref<1x1x128xi32, #tpu.memory_space<vmem>> -> memref<128xi32, #tpu.memory_space<vmem>>
      %dma_wait3A_449 = arith.constant 0 : i32
      %dma_wait3A_450 = arith.constant 0 : i32
      %dma_wait3A_451 = tpu.memref_slice %arg4[%arg0, %dma_wait3A_449, %dma_wait3A_450] : memref<2x50176x16xf32, #tpu.memory_space<hbm>> -> memref<1x50176x16xf32, #tpu.memory_space<hbm>>
      %dma_wait3A_452 = tpu.memref_squeeze %dma_wait3A_451 : memref<1x50176x16xf32, #tpu.memory_space<hbm>> -> memref<50176x16xf32, #tpu.memory_space<hbm>>
      %dma_wait3A_453 = arith.constant 0 : i32
      %dma_wait3A_454 = arith.constant 0 : i32
      %dma_wait3A_455 = tpu.memref_slice %dma_wait3A_452[%dma_wait3A_453, %dma_wait3A_454] : memref<50176x16xf32, #tpu.memory_space<hbm>> -> memref<50176x16xf32, #tpu.memory_space<hbm>>
      %dma_wait3A_456 = tpu.memref_slice %arg9[%dma_wait3A_442] : memref<12x!tpu.dma_semaphore, #tpu.memory_space<semaphore_mem>> -> memref<1x!tpu.dma_semaphore, #tpu.memory_space<semaphore_mem>>
      %dma_wait3A_457 = tpu.memref_squeeze %dma_wait3A_456 : memref<1x!tpu.dma_semaphore, #tpu.memory_space<semaphore_mem>> -> memref<!tpu.dma_semaphore, #tpu.memory_space<semaphore_mem>>
      tpu.wait_indirect_dma semaphore(%dma_wait3A_457 : memref<!tpu.dma_semaphore, #tpu.memory_space<semaphore_mem>>) src(%dma_wait3A_455 : memref<50176x16xf32, #tpu.memory_space<hbm>>) dst(%dma_wait3A_445 : memref<128x16xf32, #tpu.memory_space<vmem>>)
      %dma_start3A_458 = arith.constant 6 : i32
      %dma_start3A_459 = arith.constant 1 : i32
      %dma_start3A_460 = arith.constant 6 : i32
      %dma_start3A_461 = arith.constant 768 : i32
      %dma_start3A_462 = arith.constant 0 : i32
      %dma_start3A_463 = tpu.memref_slice %arg7[%dma_start3A_461, %dma_start3A_462] : memref<1536x16xf32, #tpu.memory_space<vmem>> -> memref<128x16xf32, #tpu.memory_space<vmem>>
      %dma_start3A_464 = arith.constant 0 : i32
      %dma_start3A_465 = tpu.memref_slice %arg6[%dma_start3A_458, %dma_start3A_459, %dma_start3A_464] : memref<12x2x128xi32, #tpu.memory_space<vmem>> -> memref<1x1x128xi32, #tpu.memory_space<vmem>>
      %dma_start3A_466 = tpu.memref_squeeze %dma_start3A_465 : memref<1x1x128xi32, #tpu.memory_space<vmem>> -> memref<128xi32, #tpu.memory_space<vmem>>
      %dma_start3A_467 = arith.constant 0 : i32
      %dma_start3A_468 = arith.constant 0 : i32
      %dma_start3A_469 = tpu.memref_slice %arg11[%dma_start3A_467, %dma_start3A_468] : memref<50176x16xf32, #tpu.memory_space<vmem_shared>> -> memref<50176x16xf32, #tpu.memory_space<vmem_shared>>
      %dma_start3A_470 = tpu.memref_slice %arg10[%dma_start3A_460] : memref<12x!tpu.dma_semaphore, #tpu.memory_space<semaphore_mem>> -> memref<1x!tpu.dma_semaphore, #tpu.memory_space<semaphore_mem>>
      %dma_start3A_471 = tpu.memref_squeeze %dma_start3A_470 : memref<1x!tpu.dma_semaphore, #tpu.memory_space<semaphore_mem>> -> memref<!tpu.dma_semaphore, #tpu.memory_space<semaphore_mem>>
      tpu.enqueue_indirect_dma source(%dma_start3A_463 : memref<128x16xf32, #tpu.memory_space<vmem>>) target(%dma_start3A_469 : memref<50176x16xf32, #tpu.memory_space<vmem_shared>>) offsets(%dma_start3A_466 : memref<128xi32, #tpu.memory_space<vmem>>) semaphore(%dma_start3A_471 : memref<!tpu.dma_semaphore, #tpu.memory_space<semaphore_mem>>) {add = true}
      %dma_wait3A_472 = arith.constant 7 : i32
      %dma_wait3A_473 = arith.constant 0 : i32
      %dma_wait3A_474 = arith.constant 7 : i32
      %dma_wait3A_475 = arith.constant 896 : i32
      %dma_wait3A_476 = arith.constant 0 : i32
      %dma_wait3A_477 = tpu.memref_slice %arg7[%dma_wait3A_475, %dma_wait3A_476] : memref<1536x16xf32, #tpu.memory_space<vmem>> -> memref<128x16xf32, #tpu.memory_space<vmem>>
      %dma_wait3A_478 = arith.constant 0 : i32
      %dma_wait3A_479 = tpu.memref_slice %arg6[%dma_wait3A_472, %dma_wait3A_473, %dma_wait3A_478] : memref<12x2x128xi32, #tpu.memory_space<vmem>> -> memref<1x1x128xi32, #tpu.memory_space<vmem>>
      %dma_wait3A_480 = tpu.memref_squeeze %dma_wait3A_479 : memref<1x1x128xi32, #tpu.memory_space<vmem>> -> memref<128xi32, #tpu.memory_space<vmem>>
      %dma_wait3A_481 = arith.constant 0 : i32
      %dma_wait3A_482 = arith.constant 0 : i32
      %dma_wait3A_483 = tpu.memref_slice %arg4[%arg0, %dma_wait3A_481, %dma_wait3A_482] : memref<2x50176x16xf32, #tpu.memory_space<hbm>> -> memref<1x50176x16xf32, #tpu.memory_space<hbm>>
      %dma_wait3A_484 = tpu.memref_squeeze %dma_wait3A_483 : memref<1x50176x16xf32, #tpu.memory_space<hbm>> -> memref<50176x16xf32, #tpu.memory_space<hbm>>
      %dma_wait3A_485 = arith.constant 0 : i32
      %dma_wait3A_486 = arith.constant 0 : i32
      %dma_wait3A_487 = tpu.memref_slice %dma_wait3A_484[%dma_wait3A_485, %dma_wait3A_486] : memref<50176x16xf32, #tpu.memory_space<hbm>> -> memref<50176x16xf32, #tpu.memory_space<hbm>>
      %dma_wait3A_488 = tpu.memref_slice %arg9[%dma_wait3A_474] : memref<12x!tpu.dma_semaphore, #tpu.memory_space<semaphore_mem>> -> memref<1x!tpu.dma_semaphore, #tpu.memory_space<semaphore_mem>>
      %dma_wait3A_489 = tpu.memref_squeeze %dma_wait3A_488 : memref<1x!tpu.dma_semaphore, #tpu.memory_space<semaphore_mem>> -> memref<!tpu.dma_semaphore, #tpu.memory_space<semaphore_mem>>
      tpu.wait_indirect_dma semaphore(%dma_wait3A_489 : memref<!tpu.dma_semaphore, #tpu.memory_space<semaphore_mem>>) src(%dma_wait3A_487 : memref<50176x16xf32, #tpu.memory_space<hbm>>) dst(%dma_wait3A_477 : memref<128x16xf32, #tpu.memory_space<vmem>>)
      %dma_start3A_490 = arith.constant 7 : i32
      %dma_start3A_491 = arith.constant 1 : i32
      %dma_start3A_492 = arith.constant 7 : i32
      %dma_start3A_493 = arith.constant 896 : i32
      %dma_start3A_494 = arith.constant 0 : i32
      %dma_start3A_495 = tpu.memref_slice %arg7[%dma_start3A_493, %dma_start3A_494] : memref<1536x16xf32, #tpu.memory_space<vmem>> -> memref<128x16xf32, #tpu.memory_space<vmem>>
      %dma_start3A_496 = arith.constant 0 : i32
      %dma_start3A_497 = tpu.memref_slice %arg6[%dma_start3A_490, %dma_start3A_491, %dma_start3A_496] : memref<12x2x128xi32, #tpu.memory_space<vmem>> -> memref<1x1x128xi32, #tpu.memory_space<vmem>>
      %dma_start3A_498 = tpu.memref_squeeze %dma_start3A_497 : memref<1x1x128xi32, #tpu.memory_space<vmem>> -> memref<128xi32, #tpu.memory_space<vmem>>
      %dma_start3A_499 = arith.constant 0 : i32
      %dma_start3A_500 = arith.constant 0 : i32
      %dma_start3A_501 = tpu.memref_slice %arg11[%dma_start3A_499, %dma_start3A_500] : memref<50176x16xf32, #tpu.memory_space<vmem_shared>> -> memref<50176x16xf32, #tpu.memory_space<vmem_shared>>
      %dma_start3A_502 = tpu.memref_slice %arg10[%dma_start3A_492] : memref<12x!tpu.dma_semaphore, #tpu.memory_space<semaphore_mem>> -> memref<1x!tpu.dma_semaphore, #tpu.memory_space<semaphore_mem>>
      %dma_start3A_503 = tpu.memref_squeeze %dma_start3A_502 : memref<1x!tpu.dma_semaphore, #tpu.memory_space<semaphore_mem>> -> memref<!tpu.dma_semaphore, #tpu.memory_space<semaphore_mem>>
      tpu.enqueue_indirect_dma source(%dma_start3A_495 : memref<128x16xf32, #tpu.memory_space<vmem>>) target(%dma_start3A_501 : memref<50176x16xf32, #tpu.memory_space<vmem_shared>>) offsets(%dma_start3A_498 : memref<128xi32, #tpu.memory_space<vmem>>) semaphore(%dma_start3A_503 : memref<!tpu.dma_semaphore, #tpu.memory_space<semaphore_mem>>) {add = true}
      %dma_wait3A_504 = arith.constant 8 : i32
      %dma_wait3A_505 = arith.constant 0 : i32
      %dma_wait3A_506 = arith.constant 8 : i32
      %dma_wait3A_507 = arith.constant 1024 : i32
      %dma_wait3A_508 = arith.constant 0 : i32
      %dma_wait3A_509 = tpu.memref_slice %arg7[%dma_wait3A_507, %dma_wait3A_508] : memref<1536x16xf32, #tpu.memory_space<vmem>> -> memref<128x16xf32, #tpu.memory_space<vmem>>
      %dma_wait3A_510 = arith.constant 0 : i32
      %dma_wait3A_511 = tpu.memref_slice %arg6[%dma_wait3A_504, %dma_wait3A_505, %dma_wait3A_510] : memref<12x2x128xi32, #tpu.memory_space<vmem>> -> memref<1x1x128xi32, #tpu.memory_space<vmem>>
      %dma_wait3A_512 = tpu.memref_squeeze %dma_wait3A_511 : memref<1x1x128xi32, #tpu.memory_space<vmem>> -> memref<128xi32, #tpu.memory_space<vmem>>
      %dma_wait3A_513 = arith.constant 0 : i32
      %dma_wait3A_514 = arith.constant 0 : i32
      %dma_wait3A_515 = tpu.memref_slice %arg4[%arg0, %dma_wait3A_513, %dma_wait3A_514] : memref<2x50176x16xf32, #tpu.memory_space<hbm>> -> memref<1x50176x16xf32, #tpu.memory_space<hbm>>
      %dma_wait3A_516 = tpu.memref_squeeze %dma_wait3A_515 : memref<1x50176x16xf32, #tpu.memory_space<hbm>> -> memref<50176x16xf32, #tpu.memory_space<hbm>>
      %dma_wait3A_517 = arith.constant 0 : i32
      %dma_wait3A_518 = arith.constant 0 : i32
      %dma_wait3A_519 = tpu.memref_slice %dma_wait3A_516[%dma_wait3A_517, %dma_wait3A_518] : memref<50176x16xf32, #tpu.memory_space<hbm>> -> memref<50176x16xf32, #tpu.memory_space<hbm>>
      %dma_wait3A_520 = tpu.memref_slice %arg9[%dma_wait3A_506] : memref<12x!tpu.dma_semaphore, #tpu.memory_space<semaphore_mem>> -> memref<1x!tpu.dma_semaphore, #tpu.memory_space<semaphore_mem>>
      %dma_wait3A_521 = tpu.memref_squeeze %dma_wait3A_520 : memref<1x!tpu.dma_semaphore, #tpu.memory_space<semaphore_mem>> -> memref<!tpu.dma_semaphore, #tpu.memory_space<semaphore_mem>>
      tpu.wait_indirect_dma semaphore(%dma_wait3A_521 : memref<!tpu.dma_semaphore, #tpu.memory_space<semaphore_mem>>) src(%dma_wait3A_519 : memref<50176x16xf32, #tpu.memory_space<hbm>>) dst(%dma_wait3A_509 : memref<128x16xf32, #tpu.memory_space<vmem>>)
      %dma_start3A_522 = arith.constant 8 : i32
      %dma_start3A_523 = arith.constant 1 : i32
      %dma_start3A_524 = arith.constant 8 : i32
      %dma_start3A_525 = arith.constant 1024 : i32
      %dma_start3A_526 = arith.constant 0 : i32
      %dma_start3A_527 = tpu.memref_slice %arg7[%dma_start3A_525, %dma_start3A_526] : memref<1536x16xf32, #tpu.memory_space<vmem>> -> memref<128x16xf32, #tpu.memory_space<vmem>>
      %dma_start3A_528 = arith.constant 0 : i32
      %dma_start3A_529 = tpu.memref_slice %arg6[%dma_start3A_522, %dma_start3A_523, %dma_start3A_528] : memref<12x2x128xi32, #tpu.memory_space<vmem>> -> memref<1x1x128xi32, #tpu.memory_space<vmem>>
      %dma_start3A_530 = tpu.memref_squeeze %dma_start3A_529 : memref<1x1x128xi32, #tpu.memory_space<vmem>> -> memref<128xi32, #tpu.memory_space<vmem>>
      %dma_start3A_531 = arith.constant 0 : i32
      %dma_start3A_532 = arith.constant 0 : i32
      %dma_start3A_533 = tpu.memref_slice %arg11[%dma_start3A_531, %dma_start3A_532] : memref<50176x16xf32, #tpu.memory_space<vmem_shared>> -> memref<50176x16xf32, #tpu.memory_space<vmem_shared>>
      %dma_start3A_534 = tpu.memref_slice %arg10[%dma_start3A_524] : memref<12x!tpu.dma_semaphore, #tpu.memory_space<semaphore_mem>> -> memref<1x!tpu.dma_semaphore, #tpu.memory_space<semaphore_mem>>
      %dma_start3A_535 = tpu.memref_squeeze %dma_start3A_534 : memref<1x!tpu.dma_semaphore, #tpu.memory_space<semaphore_mem>> -> memref<!tpu.dma_semaphore, #tpu.memory_space<semaphore_mem>>
      tpu.enqueue_indirect_dma source(%dma_start3A_527 : memref<128x16xf32, #tpu.memory_space<vmem>>) target(%dma_start3A_533 : memref<50176x16xf32, #tpu.memory_space<vmem_shared>>) offsets(%dma_start3A_530 : memref<128xi32, #tpu.memory_space<vmem>>) semaphore(%dma_start3A_535 : memref<!tpu.dma_semaphore, #tpu.memory_space<semaphore_mem>>) {add = true}
      %dma_wait3A_536 = arith.constant 9 : i32
      %dma_wait3A_537 = arith.constant 0 : i32
      %dma_wait3A_538 = arith.constant 9 : i32
      %dma_wait3A_539 = arith.constant 1152 : i32
      %dma_wait3A_540 = arith.constant 0 : i32
      %dma_wait3A_541 = tpu.memref_slice %arg7[%dma_wait3A_539, %dma_wait3A_540] : memref<1536x16xf32, #tpu.memory_space<vmem>> -> memref<128x16xf32, #tpu.memory_space<vmem>>
      %dma_wait3A_542 = arith.constant 0 : i32
      %dma_wait3A_543 = tpu.memref_slice %arg6[%dma_wait3A_536, %dma_wait3A_537, %dma_wait3A_542] : memref<12x2x128xi32, #tpu.memory_space<vmem>> -> memref<1x1x128xi32, #tpu.memory_space<vmem>>
      %dma_wait3A_544 = tpu.memref_squeeze %dma_wait3A_543 : memref<1x1x128xi32, #tpu.memory_space<vmem>> -> memref<128xi32, #tpu.memory_space<vmem>>
      %dma_wait3A_545 = arith.constant 0 : i32
      %dma_wait3A_546 = arith.constant 0 : i32
      %dma_wait3A_547 = tpu.memref_slice %arg4[%arg0, %dma_wait3A_545, %dma_wait3A_546] : memref<2x50176x16xf32, #tpu.memory_space<hbm>> -> memref<1x50176x16xf32, #tpu.memory_space<hbm>>
      %dma_wait3A_548 = tpu.memref_squeeze %dma_wait3A_547 : memref<1x50176x16xf32, #tpu.memory_space<hbm>> -> memref<50176x16xf32, #tpu.memory_space<hbm>>
      %dma_wait3A_549 = arith.constant 0 : i32
      %dma_wait3A_550 = arith.constant 0 : i32
      %dma_wait3A_551 = tpu.memref_slice %dma_wait3A_548[%dma_wait3A_549, %dma_wait3A_550] : memref<50176x16xf32, #tpu.memory_space<hbm>> -> memref<50176x16xf32, #tpu.memory_space<hbm>>
      %dma_wait3A_552 = tpu.memref_slice %arg9[%dma_wait3A_538] : memref<12x!tpu.dma_semaphore, #tpu.memory_space<semaphore_mem>> -> memref<1x!tpu.dma_semaphore, #tpu.memory_space<semaphore_mem>>
      %dma_wait3A_553 = tpu.memref_squeeze %dma_wait3A_552 : memref<1x!tpu.dma_semaphore, #tpu.memory_space<semaphore_mem>> -> memref<!tpu.dma_semaphore, #tpu.memory_space<semaphore_mem>>
      tpu.wait_indirect_dma semaphore(%dma_wait3A_553 : memref<!tpu.dma_semaphore, #tpu.memory_space<semaphore_mem>>) src(%dma_wait3A_551 : memref<50176x16xf32, #tpu.memory_space<hbm>>) dst(%dma_wait3A_541 : memref<128x16xf32, #tpu.memory_space<vmem>>)
      %dma_start3A_554 = arith.constant 9 : i32
      %dma_start3A_555 = arith.constant 1 : i32
      %dma_start3A_556 = arith.constant 9 : i32
      %dma_start3A_557 = arith.constant 1152 : i32
      %dma_start3A_558 = arith.constant 0 : i32
      %dma_start3A_559 = tpu.memref_slice %arg7[%dma_start3A_557, %dma_start3A_558] : memref<1536x16xf32, #tpu.memory_space<vmem>> -> memref<128x16xf32, #tpu.memory_space<vmem>>
      %dma_start3A_560 = arith.constant 0 : i32
      %dma_start3A_561 = tpu.memref_slice %arg6[%dma_start3A_554, %dma_start3A_555, %dma_start3A_560] : memref<12x2x128xi32, #tpu.memory_space<vmem>> -> memref<1x1x128xi32, #tpu.memory_space<vmem>>
      %dma_start3A_562 = tpu.memref_squeeze %dma_start3A_561 : memref<1x1x128xi32, #tpu.memory_space<vmem>> -> memref<128xi32, #tpu.memory_space<vmem>>
      %dma_start3A_563 = arith.constant 0 : i32
      %dma_start3A_564 = arith.constant 0 : i32
      %dma_start3A_565 = tpu.memref_slice %arg11[%dma_start3A_563, %dma_start3A_564] : memref<50176x16xf32, #tpu.memory_space<vmem_shared>> -> memref<50176x16xf32, #tpu.memory_space<vmem_shared>>
      %dma_start3A_566 = tpu.memref_slice %arg10[%dma_start3A_556] : memref<12x!tpu.dma_semaphore, #tpu.memory_space<semaphore_mem>> -> memref<1x!tpu.dma_semaphore, #tpu.memory_space<semaphore_mem>>
      %dma_start3A_567 = tpu.memref_squeeze %dma_start3A_566 : memref<1x!tpu.dma_semaphore, #tpu.memory_space<semaphore_mem>> -> memref<!tpu.dma_semaphore, #tpu.memory_space<semaphore_mem>>
      tpu.enqueue_indirect_dma source(%dma_start3A_559 : memref<128x16xf32, #tpu.memory_space<vmem>>) target(%dma_start3A_565 : memref<50176x16xf32, #tpu.memory_space<vmem_shared>>) offsets(%dma_start3A_562 : memref<128xi32, #tpu.memory_space<vmem>>) semaphore(%dma_start3A_567 : memref<!tpu.dma_semaphore, #tpu.memory_space<semaphore_mem>>) {add = true}
      %dma_wait3A_568 = arith.constant 10 : i32
      %dma_wait3A_569 = arith.constant 0 : i32
      %dma_wait3A_570 = arith.constant 10 : i32
      %dma_wait3A_571 = arith.constant 1280 : i32
      %dma_wait3A_572 = arith.constant 0 : i32
      %dma_wait3A_573 = tpu.memref_slice %arg7[%dma_wait3A_571, %dma_wait3A_572] : memref<1536x16xf32, #tpu.memory_space<vmem>> -> memref<128x16xf32, #tpu.memory_space<vmem>>
      %dma_wait3A_574 = arith.constant 0 : i32
      %dma_wait3A_575 = tpu.memref_slice %arg6[%dma_wait3A_568, %dma_wait3A_569, %dma_wait3A_574] : memref<12x2x128xi32, #tpu.memory_space<vmem>> -> memref<1x1x128xi32, #tpu.memory_space<vmem>>
      %dma_wait3A_576 = tpu.memref_squeeze %dma_wait3A_575 : memref<1x1x128xi32, #tpu.memory_space<vmem>> -> memref<128xi32, #tpu.memory_space<vmem>>
      %dma_wait3A_577 = arith.constant 0 : i32
      %dma_wait3A_578 = arith.constant 0 : i32
      %dma_wait3A_579 = tpu.memref_slice %arg4[%arg0, %dma_wait3A_577, %dma_wait3A_578] : memref<2x50176x16xf32, #tpu.memory_space<hbm>> -> memref<1x50176x16xf32, #tpu.memory_space<hbm>>
      %dma_wait3A_580 = tpu.memref_squeeze %dma_wait3A_579 : memref<1x50176x16xf32, #tpu.memory_space<hbm>> -> memref<50176x16xf32, #tpu.memory_space<hbm>>
      %dma_wait3A_581 = arith.constant 0 : i32
      %dma_wait3A_582 = arith.constant 0 : i32
      %dma_wait3A_583 = tpu.memref_slice %dma_wait3A_580[%dma_wait3A_581, %dma_wait3A_582] : memref<50176x16xf32, #tpu.memory_space<hbm>> -> memref<50176x16xf32, #tpu.memory_space<hbm>>
      %dma_wait3A_584 = tpu.memref_slice %arg9[%dma_wait3A_570] : memref<12x!tpu.dma_semaphore, #tpu.memory_space<semaphore_mem>> -> memref<1x!tpu.dma_semaphore, #tpu.memory_space<semaphore_mem>>
      %dma_wait3A_585 = tpu.memref_squeeze %dma_wait3A_584 : memref<1x!tpu.dma_semaphore, #tpu.memory_space<semaphore_mem>> -> memref<!tpu.dma_semaphore, #tpu.memory_space<semaphore_mem>>
      tpu.wait_indirect_dma semaphore(%dma_wait3A_585 : memref<!tpu.dma_semaphore, #tpu.memory_space<semaphore_mem>>) src(%dma_wait3A_583 : memref<50176x16xf32, #tpu.memory_space<hbm>>) dst(%dma_wait3A_573 : memref<128x16xf32, #tpu.memory_space<vmem>>)
      %dma_start3A_586 = arith.constant 10 : i32
      %dma_start3A_587 = arith.constant 1 : i32
      %dma_start3A_588 = arith.constant 10 : i32
      %dma_start3A_589 = arith.constant 1280 : i32
      %dma_start3A_590 = arith.constant 0 : i32
      %dma_start3A_591 = tpu.memref_slice %arg7[%dma_start3A_589, %dma_start3A_590] : memref<1536x16xf32, #tpu.memory_space<vmem>> -> memref<128x16xf32, #tpu.memory_space<vmem>>
      %dma_start3A_592 = arith.constant 0 : i32
      %dma_start3A_593 = tpu.memref_slice %arg6[%dma_start3A_586, %dma_start3A_587, %dma_start3A_592] : memref<12x2x128xi32, #tpu.memory_space<vmem>> -> memref<1x1x128xi32, #tpu.memory_space<vmem>>
      %dma_start3A_594 = tpu.memref_squeeze %dma_start3A_593 : memref<1x1x128xi32, #tpu.memory_space<vmem>> -> memref<128xi32, #tpu.memory_space<vmem>>
      %dma_start3A_595 = arith.constant 0 : i32
      %dma_start3A_596 = arith.constant 0 : i32
      %dma_start3A_597 = tpu.memref_slice %arg11[%dma_start3A_595, %dma_start3A_596] : memref<50176x16xf32, #tpu.memory_space<vmem_shared>> -> memref<50176x16xf32, #tpu.memory_space<vmem_shared>>
      %dma_start3A_598 = tpu.memref_slice %arg10[%dma_start3A_588] : memref<12x!tpu.dma_semaphore, #tpu.memory_space<semaphore_mem>> -> memref<1x!tpu.dma_semaphore, #tpu.memory_space<semaphore_mem>>
      %dma_start3A_599 = tpu.memref_squeeze %dma_start3A_598 : memref<1x!tpu.dma_semaphore, #tpu.memory_space<semaphore_mem>> -> memref<!tpu.dma_semaphore, #tpu.memory_space<semaphore_mem>>
      tpu.enqueue_indirect_dma source(%dma_start3A_591 : memref<128x16xf32, #tpu.memory_space<vmem>>) target(%dma_start3A_597 : memref<50176x16xf32, #tpu.memory_space<vmem_shared>>) offsets(%dma_start3A_594 : memref<128xi32, #tpu.memory_space<vmem>>) semaphore(%dma_start3A_599 : memref<!tpu.dma_semaphore, #tpu.memory_space<semaphore_mem>>) {add = true}
      %dma_wait3A_600 = arith.constant 11 : i32
      %dma_wait3A_601 = arith.constant 0 : i32
      %dma_wait3A_602 = arith.constant 11 : i32
      %dma_wait3A_603 = arith.constant 1408 : i32
      %dma_wait3A_604 = arith.constant 0 : i32
      %dma_wait3A_605 = tpu.memref_slice %arg7[%dma_wait3A_603, %dma_wait3A_604] : memref<1536x16xf32, #tpu.memory_space<vmem>> -> memref<128x16xf32, #tpu.memory_space<vmem>>
      %dma_wait3A_606 = arith.constant 0 : i32
      %dma_wait3A_607 = tpu.memref_slice %arg6[%dma_wait3A_600, %dma_wait3A_601, %dma_wait3A_606] : memref<12x2x128xi32, #tpu.memory_space<vmem>> -> memref<1x1x128xi32, #tpu.memory_space<vmem>>
      %dma_wait3A_608 = tpu.memref_squeeze %dma_wait3A_607 : memref<1x1x128xi32, #tpu.memory_space<vmem>> -> memref<128xi32, #tpu.memory_space<vmem>>
      %dma_wait3A_609 = arith.constant 0 : i32
      %dma_wait3A_610 = arith.constant 0 : i32
      %dma_wait3A_611 = tpu.memref_slice %arg4[%arg0, %dma_wait3A_609, %dma_wait3A_610] : memref<2x50176x16xf32, #tpu.memory_space<hbm>> -> memref<1x50176x16xf32, #tpu.memory_space<hbm>>
      %dma_wait3A_612 = tpu.memref_squeeze %dma_wait3A_611 : memref<1x50176x16xf32, #tpu.memory_space<hbm>> -> memref<50176x16xf32, #tpu.memory_space<hbm>>
      %dma_wait3A_613 = arith.constant 0 : i32
      %dma_wait3A_614 = arith.constant 0 : i32
      %dma_wait3A_615 = tpu.memref_slice %dma_wait3A_612[%dma_wait3A_613, %dma_wait3A_614] : memref<50176x16xf32, #tpu.memory_space<hbm>> -> memref<50176x16xf32, #tpu.memory_space<hbm>>
      %dma_wait3A_616 = tpu.memref_slice %arg9[%dma_wait3A_602] : memref<12x!tpu.dma_semaphore, #tpu.memory_space<semaphore_mem>> -> memref<1x!tpu.dma_semaphore, #tpu.memory_space<semaphore_mem>>
      %dma_wait3A_617 = tpu.memref_squeeze %dma_wait3A_616 : memref<1x!tpu.dma_semaphore, #tpu.memory_space<semaphore_mem>> -> memref<!tpu.dma_semaphore, #tpu.memory_space<semaphore_mem>>
      tpu.wait_indirect_dma semaphore(%dma_wait3A_617 : memref<!tpu.dma_semaphore, #tpu.memory_space<semaphore_mem>>) src(%dma_wait3A_615 : memref<50176x16xf32, #tpu.memory_space<hbm>>) dst(%dma_wait3A_605 : memref<128x16xf32, #tpu.memory_space<vmem>>)
      %dma_start3A_618 = arith.constant 11 : i32
      %dma_start3A_619 = arith.constant 1 : i32
      %dma_start3A_620 = arith.constant 11 : i32
      %dma_start3A_621 = arith.constant 1408 : i32
      %dma_start3A_622 = arith.constant 0 : i32
      %dma_start3A_623 = tpu.memref_slice %arg7[%dma_start3A_621, %dma_start3A_622] : memref<1536x16xf32, #tpu.memory_space<vmem>> -> memref<128x16xf32, #tpu.memory_space<vmem>>
      %dma_start3A_624 = arith.constant 0 : i32
      %dma_start3A_625 = tpu.memref_slice %arg6[%dma_start3A_618, %dma_start3A_619, %dma_start3A_624] : memref<12x2x128xi32, #tpu.memory_space<vmem>> -> memref<1x1x128xi32, #tpu.memory_space<vmem>>
      %dma_start3A_626 = tpu.memref_squeeze %dma_start3A_625 : memref<1x1x128xi32, #tpu.memory_space<vmem>> -> memref<128xi32, #tpu.memory_space<vmem>>
      %dma_start3A_627 = arith.constant 0 : i32
      %dma_start3A_628 = arith.constant 0 : i32
      %dma_start3A_629 = tpu.memref_slice %arg11[%dma_start3A_627, %dma_start3A_628] : memref<50176x16xf32, #tpu.memory_space<vmem_shared>> -> memref<50176x16xf32, #tpu.memory_space<vmem_shared>>
      %dma_start3A_630 = tpu.memref_slice %arg10[%dma_start3A_620] : memref<12x!tpu.dma_semaphore, #tpu.memory_space<semaphore_mem>> -> memref<1x!tpu.dma_semaphore, #tpu.memory_space<semaphore_mem>>
      %dma_start3A_631 = tpu.memref_squeeze %dma_start3A_630 : memref<1x!tpu.dma_semaphore, #tpu.memory_space<semaphore_mem>> -> memref<!tpu.dma_semaphore, #tpu.memory_space<semaphore_mem>>
      tpu.enqueue_indirect_dma source(%dma_start3A_623 : memref<128x16xf32, #tpu.memory_space<vmem>>) target(%dma_start3A_629 : memref<50176x16xf32, #tpu.memory_space<vmem_shared>>) offsets(%dma_start3A_626 : memref<128xi32, #tpu.memory_space<vmem>>) semaphore(%dma_start3A_631 : memref<!tpu.dma_semaphore, #tpu.memory_space<semaphore_mem>>) {add = true}
      %dma_wait3A_632 = arith.constant 0 : i32
      %dma_wait3A_633 = arith.constant 1 : i32
      %dma_wait3A_634 = arith.constant 0 : i32
      %dma_wait3A_635 = arith.constant 0 : i32
      %dma_wait3A_636 = arith.constant 0 : i32
      %dma_wait3A_637 = tpu.memref_slice %arg7[%dma_wait3A_635, %dma_wait3A_636] : memref<1536x16xf32, #tpu.memory_space<vmem>> -> memref<128x16xf32, #tpu.memory_space<vmem>>
      %dma_wait3A_638 = arith.constant 0 : i32
      %dma_wait3A_639 = tpu.memref_slice %arg6[%dma_wait3A_632, %dma_wait3A_633, %dma_wait3A_638] : memref<12x2x128xi32, #tpu.memory_space<vmem>> -> memref<1x1x128xi32, #tpu.memory_space<vmem>>
      %dma_wait3A_640 = tpu.memref_squeeze %dma_wait3A_639 : memref<1x1x128xi32, #tpu.memory_space<vmem>> -> memref<128xi32, #tpu.memory_space<vmem>>
      %dma_wait3A_641 = arith.constant 0 : i32
      %dma_wait3A_642 = arith.constant 0 : i32
      %dma_wait3A_643 = tpu.memref_slice %arg11[%dma_wait3A_641, %dma_wait3A_642] : memref<50176x16xf32, #tpu.memory_space<vmem_shared>> -> memref<50176x16xf32, #tpu.memory_space<vmem_shared>>
      %dma_wait3A_644 = tpu.memref_slice %arg10[%dma_wait3A_634] : memref<12x!tpu.dma_semaphore, #tpu.memory_space<semaphore_mem>> -> memref<1x!tpu.dma_semaphore, #tpu.memory_space<semaphore_mem>>
      %dma_wait3A_645 = tpu.memref_squeeze %dma_wait3A_644 : memref<1x!tpu.dma_semaphore, #tpu.memory_space<semaphore_mem>> -> memref<!tpu.dma_semaphore, #tpu.memory_space<semaphore_mem>>
      tpu.wait_indirect_dma semaphore(%dma_wait3A_645 : memref<!tpu.dma_semaphore, #tpu.memory_space<semaphore_mem>>) src(%dma_wait3A_637 : memref<128x16xf32, #tpu.memory_space<vmem>>) dst(%dma_wait3A_643 : memref<50176x16xf32, #tpu.memory_space<vmem_shared>>)
      %dma_wait3A_646 = arith.constant 1 : i32
      %dma_wait3A_647 = arith.constant 1 : i32
      %dma_wait3A_648 = arith.constant 1 : i32
      %dma_wait3A_649 = arith.constant 128 : i32
      %dma_wait3A_650 = arith.constant 0 : i32
      %dma_wait3A_651 = tpu.memref_slice %arg7[%dma_wait3A_649, %dma_wait3A_650] : memref<1536x16xf32, #tpu.memory_space<vmem>> -> memref<128x16xf32, #tpu.memory_space<vmem>>
      %dma_wait3A_652 = arith.constant 0 : i32
      %dma_wait3A_653 = tpu.memref_slice %arg6[%dma_wait3A_646, %dma_wait3A_647, %dma_wait3A_652] : memref<12x2x128xi32, #tpu.memory_space<vmem>> -> memref<1x1x128xi32, #tpu.memory_space<vmem>>
      %dma_wait3A_654 = tpu.memref_squeeze %dma_wait3A_653 : memref<1x1x128xi32, #tpu.memory_space<vmem>> -> memref<128xi32, #tpu.memory_space<vmem>>
      %dma_wait3A_655 = arith.constant 0 : i32
      %dma_wait3A_656 = arith.constant 0 : i32
      %dma_wait3A_657 = tpu.memref_slice %arg11[%dma_wait3A_655, %dma_wait3A_656] : memref<50176x16xf32, #tpu.memory_space<vmem_shared>> -> memref<50176x16xf32, #tpu.memory_space<vmem_shared>>
      %dma_wait3A_658 = tpu.memref_slice %arg10[%dma_wait3A_648] : memref<12x!tpu.dma_semaphore, #tpu.memory_space<semaphore_mem>> -> memref<1x!tpu.dma_semaphore, #tpu.memory_space<semaphore_mem>>
      %dma_wait3A_659 = tpu.memref_squeeze %dma_wait3A_658 : memref<1x!tpu.dma_semaphore, #tpu.memory_space<semaphore_mem>> -> memref<!tpu.dma_semaphore, #tpu.memory_space<semaphore_mem>>
      tpu.wait_indirect_dma semaphore(%dma_wait3A_659 : memref<!tpu.dma_semaphore, #tpu.memory_space<semaphore_mem>>) src(%dma_wait3A_651 : memref<128x16xf32, #tpu.memory_space<vmem>>) dst(%dma_wait3A_657 : memref<50176x16xf32, #tpu.memory_space<vmem_shared>>)
      %dma_wait3A_660 = arith.constant 2 : i32
      %dma_wait3A_661 = arith.constant 1 : i32
      %dma_wait3A_662 = arith.constant 2 : i32
      %dma_wait3A_663 = arith.constant 256 : i32
      %dma_wait3A_664 = arith.constant 0 : i32
      %dma_wait3A_665 = tpu.memref_slice %arg7[%dma_wait3A_663, %dma_wait3A_664] : memref<1536x16xf32, #tpu.memory_space<vmem>> -> memref<128x16xf32, #tpu.memory_space<vmem>>
      %dma_wait3A_666 = arith.constant 0 : i32
      %dma_wait3A_667 = tpu.memref_slice %arg6[%dma_wait3A_660, %dma_wait3A_661, %dma_wait3A_666] : memref<12x2x128xi32, #tpu.memory_space<vmem>> -> memref<1x1x128xi32, #tpu.memory_space<vmem>>
      %dma_wait3A_668 = tpu.memref_squeeze %dma_wait3A_667 : memref<1x1x128xi32, #tpu.memory_space<vmem>> -> memref<128xi32, #tpu.memory_space<vmem>>
      %dma_wait3A_669 = arith.constant 0 : i32
      %dma_wait3A_670 = arith.constant 0 : i32
      %dma_wait3A_671 = tpu.memref_slice %arg11[%dma_wait3A_669, %dma_wait3A_670] : memref<50176x16xf32, #tpu.memory_space<vmem_shared>> -> memref<50176x16xf32, #tpu.memory_space<vmem_shared>>
      %dma_wait3A_672 = tpu.memref_slice %arg10[%dma_wait3A_662] : memref<12x!tpu.dma_semaphore, #tpu.memory_space<semaphore_mem>> -> memref<1x!tpu.dma_semaphore, #tpu.memory_space<semaphore_mem>>
      %dma_wait3A_673 = tpu.memref_squeeze %dma_wait3A_672 : memref<1x!tpu.dma_semaphore, #tpu.memory_space<semaphore_mem>> -> memref<!tpu.dma_semaphore, #tpu.memory_space<semaphore_mem>>
      tpu.wait_indirect_dma semaphore(%dma_wait3A_673 : memref<!tpu.dma_semaphore, #tpu.memory_space<semaphore_mem>>) src(%dma_wait3A_665 : memref<128x16xf32, #tpu.memory_space<vmem>>) dst(%dma_wait3A_671 : memref<50176x16xf32, #tpu.memory_space<vmem_shared>>)
      %dma_wait3A_674 = arith.constant 3 : i32
      %dma_wait3A_675 = arith.constant 1 : i32
      %dma_wait3A_676 = arith.constant 3 : i32
      %dma_wait3A_677 = arith.constant 384 : i32
      %dma_wait3A_678 = arith.constant 0 : i32
      %dma_wait3A_679 = tpu.memref_slice %arg7[%dma_wait3A_677, %dma_wait3A_678] : memref<1536x16xf32, #tpu.memory_space<vmem>> -> memref<128x16xf32, #tpu.memory_space<vmem>>
      %dma_wait3A_680 = arith.constant 0 : i32
      %dma_wait3A_681 = tpu.memref_slice %arg6[%dma_wait3A_674, %dma_wait3A_675, %dma_wait3A_680] : memref<12x2x128xi32, #tpu.memory_space<vmem>> -> memref<1x1x128xi32, #tpu.memory_space<vmem>>
      %dma_wait3A_682 = tpu.memref_squeeze %dma_wait3A_681 : memref<1x1x128xi32, #tpu.memory_space<vmem>> -> memref<128xi32, #tpu.memory_space<vmem>>
      %dma_wait3A_683 = arith.constant 0 : i32
      %dma_wait3A_684 = arith.constant 0 : i32
      %dma_wait3A_685 = tpu.memref_slice %arg11[%dma_wait3A_683, %dma_wait3A_684] : memref<50176x16xf32, #tpu.memory_space<vmem_shared>> -> memref<50176x16xf32, #tpu.memory_space<vmem_shared>>
      %dma_wait3A_686 = tpu.memref_slice %arg10[%dma_wait3A_676] : memref<12x!tpu.dma_semaphore, #tpu.memory_space<semaphore_mem>> -> memref<1x!tpu.dma_semaphore, #tpu.memory_space<semaphore_mem>>
      %dma_wait3A_687 = tpu.memref_squeeze %dma_wait3A_686 : memref<1x!tpu.dma_semaphore, #tpu.memory_space<semaphore_mem>> -> memref<!tpu.dma_semaphore, #tpu.memory_space<semaphore_mem>>
      tpu.wait_indirect_dma semaphore(%dma_wait3A_687 : memref<!tpu.dma_semaphore, #tpu.memory_space<semaphore_mem>>) src(%dma_wait3A_679 : memref<128x16xf32, #tpu.memory_space<vmem>>) dst(%dma_wait3A_685 : memref<50176x16xf32, #tpu.memory_space<vmem_shared>>)
      %dma_wait3A_688 = arith.constant 4 : i32
      %dma_wait3A_689 = arith.constant 1 : i32
      %dma_wait3A_690 = arith.constant 4 : i32
      %dma_wait3A_691 = arith.constant 512 : i32
      %dma_wait3A_692 = arith.constant 0 : i32
      %dma_wait3A_693 = tpu.memref_slice %arg7[%dma_wait3A_691, %dma_wait3A_692] : memref<1536x16xf32, #tpu.memory_space<vmem>> -> memref<128x16xf32, #tpu.memory_space<vmem>>
      %dma_wait3A_694 = arith.constant 0 : i32
      %dma_wait3A_695 = tpu.memref_slice %arg6[%dma_wait3A_688, %dma_wait3A_689, %dma_wait3A_694] : memref<12x2x128xi32, #tpu.memory_space<vmem>> -> memref<1x1x128xi32, #tpu.memory_space<vmem>>
      %dma_wait3A_696 = tpu.memref_squeeze %dma_wait3A_695 : memref<1x1x128xi32, #tpu.memory_space<vmem>> -> memref<128xi32, #tpu.memory_space<vmem>>
      %dma_wait3A_697 = arith.constant 0 : i32
      %dma_wait3A_698 = arith.constant 0 : i32
      %dma_wait3A_699 = tpu.memref_slice %arg11[%dma_wait3A_697, %dma_wait3A_698] : memref<50176x16xf32, #tpu.memory_space<vmem_shared>> -> memref<50176x16xf32, #tpu.memory_space<vmem_shared>>
      %dma_wait3A_700 = tpu.memref_slice %arg10[%dma_wait3A_690] : memref<12x!tpu.dma_semaphore, #tpu.memory_space<semaphore_mem>> -> memref<1x!tpu.dma_semaphore, #tpu.memory_space<semaphore_mem>>
      %dma_wait3A_701 = tpu.memref_squeeze %dma_wait3A_700 : memref<1x!tpu.dma_semaphore, #tpu.memory_space<semaphore_mem>> -> memref<!tpu.dma_semaphore, #tpu.memory_space<semaphore_mem>>
      tpu.wait_indirect_dma semaphore(%dma_wait3A_701 : memref<!tpu.dma_semaphore, #tpu.memory_space<semaphore_mem>>) src(%dma_wait3A_693 : memref<128x16xf32, #tpu.memory_space<vmem>>) dst(%dma_wait3A_699 : memref<50176x16xf32, #tpu.memory_space<vmem_shared>>)
      %dma_wait3A_702 = arith.constant 5 : i32
      %dma_wait3A_703 = arith.constant 1 : i32
      %dma_wait3A_704 = arith.constant 5 : i32
      %dma_wait3A_705 = arith.constant 640 : i32
      %dma_wait3A_706 = arith.constant 0 : i32
      %dma_wait3A_707 = tpu.memref_slice %arg7[%dma_wait3A_705, %dma_wait3A_706] : memref<1536x16xf32, #tpu.memory_space<vmem>> -> memref<128x16xf32, #tpu.memory_space<vmem>>
      %dma_wait3A_708 = arith.constant 0 : i32
      %dma_wait3A_709 = tpu.memref_slice %arg6[%dma_wait3A_702, %dma_wait3A_703, %dma_wait3A_708] : memref<12x2x128xi32, #tpu.memory_space<vmem>> -> memref<1x1x128xi32, #tpu.memory_space<vmem>>
      %dma_wait3A_710 = tpu.memref_squeeze %dma_wait3A_709 : memref<1x1x128xi32, #tpu.memory_space<vmem>> -> memref<128xi32, #tpu.memory_space<vmem>>
      %dma_wait3A_711 = arith.constant 0 : i32
      %dma_wait3A_712 = arith.constant 0 : i32
      %dma_wait3A_713 = tpu.memref_slice %arg11[%dma_wait3A_711, %dma_wait3A_712] : memref<50176x16xf32, #tpu.memory_space<vmem_shared>> -> memref<50176x16xf32, #tpu.memory_space<vmem_shared>>
      %dma_wait3A_714 = tpu.memref_slice %arg10[%dma_wait3A_704] : memref<12x!tpu.dma_semaphore, #tpu.memory_space<semaphore_mem>> -> memref<1x!tpu.dma_semaphore, #tpu.memory_space<semaphore_mem>>
      %dma_wait3A_715 = tpu.memref_squeeze %dma_wait3A_714 : memref<1x!tpu.dma_semaphore, #tpu.memory_space<semaphore_mem>> -> memref<!tpu.dma_semaphore, #tpu.memory_space<semaphore_mem>>
      tpu.wait_indirect_dma semaphore(%dma_wait3A_715 : memref<!tpu.dma_semaphore, #tpu.memory_space<semaphore_mem>>) src(%dma_wait3A_707 : memref<128x16xf32, #tpu.memory_space<vmem>>) dst(%dma_wait3A_713 : memref<50176x16xf32, #tpu.memory_space<vmem_shared>>)
      %dma_wait3A_716 = arith.constant 6 : i32
      %dma_wait3A_717 = arith.constant 1 : i32
      %dma_wait3A_718 = arith.constant 6 : i32
      %dma_wait3A_719 = arith.constant 768 : i32
      %dma_wait3A_720 = arith.constant 0 : i32
      %dma_wait3A_721 = tpu.memref_slice %arg7[%dma_wait3A_719, %dma_wait3A_720] : memref<1536x16xf32, #tpu.memory_space<vmem>> -> memref<128x16xf32, #tpu.memory_space<vmem>>
      %dma_wait3A_722 = arith.constant 0 : i32
      %dma_wait3A_723 = tpu.memref_slice %arg6[%dma_wait3A_716, %dma_wait3A_717, %dma_wait3A_722] : memref<12x2x128xi32, #tpu.memory_space<vmem>> -> memref<1x1x128xi32, #tpu.memory_space<vmem>>
      %dma_wait3A_724 = tpu.memref_squeeze %dma_wait3A_723 : memref<1x1x128xi32, #tpu.memory_space<vmem>> -> memref<128xi32, #tpu.memory_space<vmem>>
      %dma_wait3A_725 = arith.constant 0 : i32
      %dma_wait3A_726 = arith.constant 0 : i32
      %dma_wait3A_727 = tpu.memref_slice %arg11[%dma_wait3A_725, %dma_wait3A_726] : memref<50176x16xf32, #tpu.memory_space<vmem_shared>> -> memref<50176x16xf32, #tpu.memory_space<vmem_shared>>
      %dma_wait3A_728 = tpu.memref_slice %arg10[%dma_wait3A_718] : memref<12x!tpu.dma_semaphore, #tpu.memory_space<semaphore_mem>> -> memref<1x!tpu.dma_semaphore, #tpu.memory_space<semaphore_mem>>
      %dma_wait3A_729 = tpu.memref_squeeze %dma_wait3A_728 : memref<1x!tpu.dma_semaphore, #tpu.memory_space<semaphore_mem>> -> memref<!tpu.dma_semaphore, #tpu.memory_space<semaphore_mem>>
      tpu.wait_indirect_dma semaphore(%dma_wait3A_729 : memref<!tpu.dma_semaphore, #tpu.memory_space<semaphore_mem>>) src(%dma_wait3A_721 : memref<128x16xf32, #tpu.memory_space<vmem>>) dst(%dma_wait3A_727 : memref<50176x16xf32, #tpu.memory_space<vmem_shared>>)
      %dma_wait3A_730 = arith.constant 7 : i32
      %dma_wait3A_731 = arith.constant 1 : i32
      %dma_wait3A_732 = arith.constant 7 : i32
      %dma_wait3A_733 = arith.constant 896 : i32
      %dma_wait3A_734 = arith.constant 0 : i32
      %dma_wait3A_735 = tpu.memref_slice %arg7[%dma_wait3A_733, %dma_wait3A_734] : memref<1536x16xf32, #tpu.memory_space<vmem>> -> memref<128x16xf32, #tpu.memory_space<vmem>>
      %dma_wait3A_736 = arith.constant 0 : i32
      %dma_wait3A_737 = tpu.memref_slice %arg6[%dma_wait3A_730, %dma_wait3A_731, %dma_wait3A_736] : memref<12x2x128xi32, #tpu.memory_space<vmem>> -> memref<1x1x128xi32, #tpu.memory_space<vmem>>
      %dma_wait3A_738 = tpu.memref_squeeze %dma_wait3A_737 : memref<1x1x128xi32, #tpu.memory_space<vmem>> -> memref<128xi32, #tpu.memory_space<vmem>>
      %dma_wait3A_739 = arith.constant 0 : i32
      %dma_wait3A_740 = arith.constant 0 : i32
      %dma_wait3A_741 = tpu.memref_slice %arg11[%dma_wait3A_739, %dma_wait3A_740] : memref<50176x16xf32, #tpu.memory_space<vmem_shared>> -> memref<50176x16xf32, #tpu.memory_space<vmem_shared>>
      %dma_wait3A_742 = tpu.memref_slice %arg10[%dma_wait3A_732] : memref<12x!tpu.dma_semaphore, #tpu.memory_space<semaphore_mem>> -> memref<1x!tpu.dma_semaphore, #tpu.memory_space<semaphore_mem>>
      %dma_wait3A_743 = tpu.memref_squeeze %dma_wait3A_742 : memref<1x!tpu.dma_semaphore, #tpu.memory_space<semaphore_mem>> -> memref<!tpu.dma_semaphore, #tpu.memory_space<semaphore_mem>>
      tpu.wait_indirect_dma semaphore(%dma_wait3A_743 : memref<!tpu.dma_semaphore, #tpu.memory_space<semaphore_mem>>) src(%dma_wait3A_735 : memref<128x16xf32, #tpu.memory_space<vmem>>) dst(%dma_wait3A_741 : memref<50176x16xf32, #tpu.memory_space<vmem_shared>>)
      %dma_wait3A_744 = arith.constant 8 : i32
      %dma_wait3A_745 = arith.constant 1 : i32
      %dma_wait3A_746 = arith.constant 8 : i32
      %dma_wait3A_747 = arith.constant 1024 : i32
      %dma_wait3A_748 = arith.constant 0 : i32
      %dma_wait3A_749 = tpu.memref_slice %arg7[%dma_wait3A_747, %dma_wait3A_748] : memref<1536x16xf32, #tpu.memory_space<vmem>> -> memref<128x16xf32, #tpu.memory_space<vmem>>
      %dma_wait3A_750 = arith.constant 0 : i32
      %dma_wait3A_751 = tpu.memref_slice %arg6[%dma_wait3A_744, %dma_wait3A_745, %dma_wait3A_750] : memref<12x2x128xi32, #tpu.memory_space<vmem>> -> memref<1x1x128xi32, #tpu.memory_space<vmem>>
      %dma_wait3A_752 = tpu.memref_squeeze %dma_wait3A_751 : memref<1x1x128xi32, #tpu.memory_space<vmem>> -> memref<128xi32, #tpu.memory_space<vmem>>
      %dma_wait3A_753 = arith.constant 0 : i32
      %dma_wait3A_754 = arith.constant 0 : i32
      %dma_wait3A_755 = tpu.memref_slice %arg11[%dma_wait3A_753, %dma_wait3A_754] : memref<50176x16xf32, #tpu.memory_space<vmem_shared>> -> memref<50176x16xf32, #tpu.memory_space<vmem_shared>>
      %dma_wait3A_756 = tpu.memref_slice %arg10[%dma_wait3A_746] : memref<12x!tpu.dma_semaphore, #tpu.memory_space<semaphore_mem>> -> memref<1x!tpu.dma_semaphore, #tpu.memory_space<semaphore_mem>>
      %dma_wait3A_757 = tpu.memref_squeeze %dma_wait3A_756 : memref<1x!tpu.dma_semaphore, #tpu.memory_space<semaphore_mem>> -> memref<!tpu.dma_semaphore, #tpu.memory_space<semaphore_mem>>
      tpu.wait_indirect_dma semaphore(%dma_wait3A_757 : memref<!tpu.dma_semaphore, #tpu.memory_space<semaphore_mem>>) src(%dma_wait3A_749 : memref<128x16xf32, #tpu.memory_space<vmem>>) dst(%dma_wait3A_755 : memref<50176x16xf32, #tpu.memory_space<vmem_shared>>)
      %dma_wait3A_758 = arith.constant 9 : i32
      %dma_wait3A_759 = arith.constant 1 : i32
      %dma_wait3A_760 = arith.constant 9 : i32
      %dma_wait3A_761 = arith.constant 1152 : i32
      %dma_wait3A_762 = arith.constant 0 : i32
      %dma_wait3A_763 = tpu.memref_slice %arg7[%dma_wait3A_761, %dma_wait3A_762] : memref<1536x16xf32, #tpu.memory_space<vmem>> -> memref<128x16xf32, #tpu.memory_space<vmem>>
      %dma_wait3A_764 = arith.constant 0 : i32
      %dma_wait3A_765 = tpu.memref_slice %arg6[%dma_wait3A_758, %dma_wait3A_759, %dma_wait3A_764] : memref<12x2x128xi32, #tpu.memory_space<vmem>> -> memref<1x1x128xi32, #tpu.memory_space<vmem>>
      %dma_wait3A_766 = tpu.memref_squeeze %dma_wait3A_765 : memref<1x1x128xi32, #tpu.memory_space<vmem>> -> memref<128xi32, #tpu.memory_space<vmem>>
      %dma_wait3A_767 = arith.constant 0 : i32
      %dma_wait3A_768 = arith.constant 0 : i32
      %dma_wait3A_769 = tpu.memref_slice %arg11[%dma_wait3A_767, %dma_wait3A_768] : memref<50176x16xf32, #tpu.memory_space<vmem_shared>> -> memref<50176x16xf32, #tpu.memory_space<vmem_shared>>
      %dma_wait3A_770 = tpu.memref_slice %arg10[%dma_wait3A_760] : memref<12x!tpu.dma_semaphore, #tpu.memory_space<semaphore_mem>> -> memref<1x!tpu.dma_semaphore, #tpu.memory_space<semaphore_mem>>
      %dma_wait3A_771 = tpu.memref_squeeze %dma_wait3A_770 : memref<1x!tpu.dma_semaphore, #tpu.memory_space<semaphore_mem>> -> memref<!tpu.dma_semaphore, #tpu.memory_space<semaphore_mem>>
      tpu.wait_indirect_dma semaphore(%dma_wait3A_771 : memref<!tpu.dma_semaphore, #tpu.memory_space<semaphore_mem>>) src(%dma_wait3A_763 : memref<128x16xf32, #tpu.memory_space<vmem>>) dst(%dma_wait3A_769 : memref<50176x16xf32, #tpu.memory_space<vmem_shared>>)
      %dma_wait3A_772 = arith.constant 10 : i32
      %dma_wait3A_773 = arith.constant 1 : i32
      %dma_wait3A_774 = arith.constant 10 : i32
      %dma_wait3A_775 = arith.constant 1280 : i32
      %dma_wait3A_776 = arith.constant 0 : i32
      %dma_wait3A_777 = tpu.memref_slice %arg7[%dma_wait3A_775, %dma_wait3A_776] : memref<1536x16xf32, #tpu.memory_space<vmem>> -> memref<128x16xf32, #tpu.memory_space<vmem>>
      %dma_wait3A_778 = arith.constant 0 : i32
      %dma_wait3A_779 = tpu.memref_slice %arg6[%dma_wait3A_772, %dma_wait3A_773, %dma_wait3A_778] : memref<12x2x128xi32, #tpu.memory_space<vmem>> -> memref<1x1x128xi32, #tpu.memory_space<vmem>>
      %dma_wait3A_780 = tpu.memref_squeeze %dma_wait3A_779 : memref<1x1x128xi32, #tpu.memory_space<vmem>> -> memref<128xi32, #tpu.memory_space<vmem>>
      %dma_wait3A_781 = arith.constant 0 : i32
      %dma_wait3A_782 = arith.constant 0 : i32
      %dma_wait3A_783 = tpu.memref_slice %arg11[%dma_wait3A_781, %dma_wait3A_782] : memref<50176x16xf32, #tpu.memory_space<vmem_shared>> -> memref<50176x16xf32, #tpu.memory_space<vmem_shared>>
      %dma_wait3A_784 = tpu.memref_slice %arg10[%dma_wait3A_774] : memref<12x!tpu.dma_semaphore, #tpu.memory_space<semaphore_mem>> -> memref<1x!tpu.dma_semaphore, #tpu.memory_space<semaphore_mem>>
      %dma_wait3A_785 = tpu.memref_squeeze %dma_wait3A_784 : memref<1x!tpu.dma_semaphore, #tpu.memory_space<semaphore_mem>> -> memref<!tpu.dma_semaphore, #tpu.memory_space<semaphore_mem>>
      tpu.wait_indirect_dma semaphore(%dma_wait3A_785 : memref<!tpu.dma_semaphore, #tpu.memory_space<semaphore_mem>>) src(%dma_wait3A_777 : memref<128x16xf32, #tpu.memory_space<vmem>>) dst(%dma_wait3A_783 : memref<50176x16xf32, #tpu.memory_space<vmem_shared>>)
      %dma_wait3A_786 = arith.constant 11 : i32
      %dma_wait3A_787 = arith.constant 1 : i32
      %dma_wait3A_788 = arith.constant 11 : i32
      %dma_wait3A_789 = arith.constant 1408 : i32
      %dma_wait3A_790 = arith.constant 0 : i32
      %dma_wait3A_791 = tpu.memref_slice %arg7[%dma_wait3A_789, %dma_wait3A_790] : memref<1536x16xf32, #tpu.memory_space<vmem>> -> memref<128x16xf32, #tpu.memory_space<vmem>>
      %dma_wait3A_792 = arith.constant 0 : i32
      %dma_wait3A_793 = tpu.memref_slice %arg6[%dma_wait3A_786, %dma_wait3A_787, %dma_wait3A_792] : memref<12x2x128xi32, #tpu.memory_space<vmem>> -> memref<1x1x128xi32, #tpu.memory_space<vmem>>
      %dma_wait3A_794 = tpu.memref_squeeze %dma_wait3A_793 : memref<1x1x128xi32, #tpu.memory_space<vmem>> -> memref<128xi32, #tpu.memory_space<vmem>>
      %dma_wait3A_795 = arith.constant 0 : i32
      %dma_wait3A_796 = arith.constant 0 : i32
      %dma_wait3A_797 = tpu.memref_slice %arg11[%dma_wait3A_795, %dma_wait3A_796] : memref<50176x16xf32, #tpu.memory_space<vmem_shared>> -> memref<50176x16xf32, #tpu.memory_space<vmem_shared>>
      %dma_wait3A_798 = tpu.memref_slice %arg10[%dma_wait3A_788] : memref<12x!tpu.dma_semaphore, #tpu.memory_space<semaphore_mem>> -> memref<1x!tpu.dma_semaphore, #tpu.memory_space<semaphore_mem>>
      %dma_wait3A_799 = tpu.memref_squeeze %dma_wait3A_798 : memref<1x!tpu.dma_semaphore, #tpu.memory_space<semaphore_mem>> -> memref<!tpu.dma_semaphore, #tpu.memory_space<semaphore_mem>>
      tpu.wait_indirect_dma semaphore(%dma_wait3A_799 : memref<!tpu.dma_semaphore, #tpu.memory_space<semaphore_mem>>) src(%dma_wait3A_791 : memref<128x16xf32, #tpu.memory_space<vmem>>) dst(%dma_wait3A_797 : memref<50176x16xf32, #tpu.memory_space<vmem_shared>>)
    }
    %scan3A_4 = arith.constant 33 : i32
    %barrier3A_5 = arith.constant 0 : index
    tpu.barrier barrier_id(%barrier3A_5)
    "tpu.region"() ({
      %run_scoped3A = tpu.sem_alloc : memref<!tpu.dma_semaphore, #tpu.memory_space<semaphore_mem>>
      %dma_start3A = arith.constant 0 : i32
      %dma_start3A_6 = tpu.memref_slice %arg5[%arg0, %mul3A_0, %dma_start3A] : memref<2x50176x16xf32, #tpu.memory_space<hbm>> -> memref<1x3136x16xf32, #tpu.memory_space<hbm>>
      %dma_start3A_7 = tpu.memref_squeeze %dma_start3A_6 : memref<1x3136x16xf32, #tpu.memory_space<hbm>> -> memref<3136x16xf32, #tpu.memory_space<hbm>>
      %dma_start3A_8 = arith.constant 0 : i32
      %dma_start3A_9 = tpu.memref_slice %arg11[%mul3A_0, %dma_start3A_8] : memref<50176x16xf32, #tpu.memory_space<vmem_shared>> -> memref<3136x16xf32, #tpu.memory_space<vmem_shared>>
      tpu.enqueue_dma source(%dma_start3A_9 : memref<3136x16xf32, #tpu.memory_space<vmem_shared>>) target(%dma_start3A_7 : memref<3136x16xf32, #tpu.memory_space<hbm>>) target_semaphore(%run_scoped3A : memref<!tpu.dma_semaphore, #tpu.memory_space<semaphore_mem>>)
      %dma_wait3A = arith.constant 0 : i32
      %dma_wait3A_10 = tpu.memref_slice %arg5[%arg0, %mul3A_0, %dma_wait3A] : memref<2x50176x16xf32, #tpu.memory_space<hbm>> -> memref<1x3136x16xf32, #tpu.memory_space<hbm>>
      %dma_wait3A_11 = tpu.memref_squeeze %dma_wait3A_10 : memref<1x3136x16xf32, #tpu.memory_space<hbm>> -> memref<3136x16xf32, #tpu.memory_space<hbm>>
      %dma_wait3A_12 = arith.constant 0 : i32
      %dma_wait3A_13 = tpu.memref_slice %arg11[%mul3A_0, %dma_wait3A_12] : memref<50176x16xf32, #tpu.memory_space<vmem_shared>> -> memref<3136x16xf32, #tpu.memory_space<vmem_shared>>
      tpu.wait_dma2 semaphore(%run_scoped3A : memref<!tpu.dma_semaphore, #tpu.memory_space<semaphore_mem>>) src(%dma_wait3A_13 : memref<3136x16xf32, #tpu.memory_space<vmem_shared>>) dst(%dma_wait3A_11 : memref<3136x16xf32, #tpu.memory_space<hbm>>)
      tpu.yield
    }) : () -> ()
    return
  }
}

</mosaic_0001>

<sc_bundles>
// kernel: _sc_prop.3.cloned.1.call-start
scs
__scs_entry_jumppad:
0x0: {  	(pc) =	sbr.rel $0x88, $3  }
0x1: {  	(tag) =	ssettag $0x0;
	lr =	simm.s32 $0x1  }
0x2: {  	[smem:$0x3F9E] =	sst lr;
	_ =	strace $0xD0000000  }
0x3: {  	_ = 	snop  }
0x4: {  	_ = 	snop  }
0x5: {  	_ = 	snop  }
0x6: {  	_ = 	snop  }
0x7: {  	_ = 	snop  }
__scs_overlays_trampoline_lowered:
0x8: {  	[smem:$0x3FAD] =	sst s0  }
0x9: {  	[smem:$0x3FAE] =	sst s1  }
0xa: {  	[smem:$0x3FAF] =	sst s2  }
0xb: {  	[smem:$0x3FB0] =	sst s3  }
0xc: {  	[smem:$0x3FB1] =	sst s4  }
0xd: {  	[smem:$0x3FB2] =	sst s5  }
0xe: {  	[smem:$0x3FB3] =	sst s6  }
0xf: {  	[smem:$0x3FB4] =	sst s7  }
0x10: {  	[smem:$0x3FB5] =	sst s8  }
0x11: {  	[smem:$0x3FB6] =	sst s9;
	s0 =	simm.s32 @!p0 $0x0  }
0x12: {  	s1 =	sld [smem:$0x3F9C];
	s0 =	simm.s32 @p0 $0x1  }
0x13: {  	[smem:$0x3FB7] =	sst s0;
	s0 =	simm.s32 @!p1 $0x0  }
0x14: {  	s2 =	sld [smem:$0x3F9B];
	s0 =	simm.s32 @p1 $0x1  }
0x15: {  	[smem:$0x3FB8] =	sst s0;
	s0 =	simm.s32 @!p2 $0x0  }
0x16: {  	s3 =	sld [smem:$0x3FDB];
	s0 =	simm.s32 @p2 $0x1  }
0x17: {  	s4 =	simm.s32 $0x1BF5;
	[smem:$0x3FBA] =	sst s0  }
0x18: {  	s0 =	sld [smem:$0x3F9D];
	_ =	swait.ge [sflag:s4], $0x0  }
0x19: {  	s7 =	sld [smem:$0x3F9E]  }
0x1a: {  	s8 =	sadd.s32 $0xFFFFE003, lr  }
0x1b: {  	s9 =	sadd.s32 $0xFFFFFEF7, lr;
	s5 =	simm.s32 $0xFFFFFFFF;
	p2 =	slt.u32 s8, $0xFFFFF086  }
0x1c: {  	p1 =	slt.u32 s9, $0xF7A;
	s5 =	simm.s32 @!p2 $0x0  }
0x1d: {  	s5 =	simm.s32 @p1 $0x1;
	p0 =	seq.s32 s7, s2  }
0x1e: {  	s7 =	smul.u32 @!p0 $0xF7A, s2;
	p2 =	seq.s32 @!p0 s5, $0x0  }
0x1f: {  	s9 =	smul.u32 $0xF7A, s1;
	s8 =	simm.s32 @!p0 $0x1BF5;
	p2 =	por !p2, p0  }
0x20: {  	[sflag:s8] =	ssyncset.s32 @!p0 $0xFFFFF086;
	s6 =	sadd.s32 @!p0 s3, s7;
	s7 =	simm.s32 @!p0 $0x108  }
0x21: {  	s3 =	sadd.s32 s3, s9;
	s6 =	sadd.s32 @!p0 $0x88, s6;
	s7 =	simm.s32 @p2 $0x1082  }
0x22: {  	[simem:s7], [sflag:s8] =	dma.local @!p0 [hbm:s6], $0xF7A  }
0x23: {  	s9 =	sor.u32 $0xD0000000, s2;
	s6 =	simm.s32 $0x108;
	_ =	swait.ge @!p0 [sflag:s8], $0x0  }
0x24: {  	s3 =	sadd.s32 $0x88, s3;
	s6 =	simm.s32 @!p1 $0x1082;
	[sflag:s4] =	ssyncset.s32 $0xFFFFF086  }
0x25: {  	[simem:s6], [sflag:s4] =	dma.local [hbm:s3], $0xF7A  }
0x26: {  	[smem:$0x3F9E] =	sst s1;
	(tag) =	ssettag s2;
	_ =	strace s9  }
0x27: {  	s1 =	sld [smem:$0x3FAE]  }
0x28: {  	s2 =	sld [smem:$0x3FAF]  }
0x29: {  	s4 =	sld [smem:$0x3FB1]  }
0x2a: {  	p0 =	seq.s32 s5, $0x0;
	s5 =	sld [smem:$0x3FB2]  }
0x2b: {  	s6 =	sld [smem:$0x3FB3]  }
0x2c: {  	s7 =	sld [smem:$0x3FB4]  }
0x2d: {  	s3 =	simm.s32 $0x108;
	s8 =	sld [smem:$0x3FB5]  }
0x2e: {  	s3 =	simm.s32 @!p0 $0x1082;
	s9 =	sld [smem:$0x3FB6]  }
0x2f: {  	lr =	sadd.s32 s0, s3;
	s0 =	sld [smem:$0x3FAD]  }
0x30: {  	s3 =	sld [smem:$0x3FB0]  }
0x31: {  	[smem:$0x3FB9] =	sst s10  }
0x32: {  	s10 =	sld [smem:$0x3FB7];
	_ =	sdelay $0x3  }
0x33: {  	p0 =	seq.s32 s10, $0x1;
	s10 =	sld [smem:$0x3FB9];
	_ =	sdelay $0x3  }
0x34: {  	[smem:$0x3FB9] =	sst s10  }
0x35: {  	s10 =	sld [smem:$0x3FB8];
	_ =	sdelay $0x3  }
0x36: {  	p1 =	seq.s32 s10, $0x1;
	s10 =	sld [smem:$0x3FB9];
	_ =	sdelay $0x3  }
0x37: {  	[smem:$0x3FB9] =	sst s10  }
0x38: {  	s10 =	sld [smem:$0x3FBA]  }
0x39: {  	_ = 	snop;
	(pc) =	sbr.ind lr, $3  }
0x3a: {  	_ = 	snop  }
0x3b: {  	_ = 	snop  }
0x3c: {  	p2 =	seq.s32 s10, $0x1;
	s10 =	sld [smem:$0x3FB9]  }
0x3d: {  	_ =	shalt  }
0x3e: {  	_ =	shalt  }
0x3f: {  	_ =	shalt  }
0x40: {  	_ =	shalt  }
0x41: {  	_ =	shalt  }
0x42: {  	_ =	shalt  }
0x43: {  	_ =	shalt  }
0x44: {  	_ =	shalt  }
0x45: {  	_ =	shalt  }
0x46: {  	_ =	shalt  }
0x47: {  	_ =	shalt  }
0x48: {  	_ =	shalt  }
0x49: {  	_ =	shalt  }
0x4a: {  	_ =	shalt  }
0x4b: {  	_ =	shalt  }
0x4c: {  	_ =	shalt  }
0x4d: {  	_ =	shalt  }
0x4e: {  	_ =	shalt  }
0x4f: {  	_ =	shalt  }
0x50: {  	_ =	shalt  }
0x51: {  	_ =	shalt  }
0x52: {  	_ =	shalt  }
0x53: {  	_ =	shalt  }
0x54: {  	_ =	shalt  }
0x55: {  	_ =	shalt  }
0x56: {  	_ =	shalt  }
0x57: {  	_ =	shalt  }
0x58: {  	_ =	shalt  }
0x59: {  	_ =	shalt  }
0x5a: {  	_ =	shalt  }
0x5b: {  	_ =	shalt  }
0x5c: {  	_ =	shalt  }
0x5d: {  	_ =	shalt  }
0x5e: {  	_ =	shalt  }
0x5f: {  	_ =	shalt  }
0x60: {  	_ =	shalt  }
0x61: {  	_ =	shalt  }
0x62: {  	_ =	shalt  }
0x63: {  	_ =	shalt  }
0x64: {  	_ =	shalt  }
0x65: {  	_ =	shalt  }
0x66: {  	_ =	shalt  }
0x67: {  	_ =	shalt  }
0x68: {  	_ =	shalt  }
0x69: {  	_ =	shalt  }
0x6a: {  	_ =	shalt  }
0x6b: {  	_ =	shalt  }
0x6c: {  	_ =	shalt  }
0x6d: {  	_ =	shalt  }
0x6e: {  	_ =	shalt  }
0x6f: {  	_ =	shalt  }
0x70: {  	_ =	shalt  }
0x71: {  	_ =	shalt  }
0x72: {  	_ =	shalt  }
0x73: {  	_ =	shalt  }
0x74: {  	_ =	shalt  }
0x75: {  	_ =	shalt  }
0x76: {  	_ =	shalt  }
0x77: {  	_ =	shalt  }
0x78: {  	_ =	shalt  }
0x79: {  	_ =	shalt  }
0x7a: {  	_ =	shalt  }
0x7b: {  	_ =	shalt  }
0x7c: {  	_ =	shalt  }
0x7d: {  	_ =	shalt  }
0x7e: {  	_ =	shalt  }
0x7f: {  	_ =	shalt  }
0x80: {  	_ =	shalt  }
0x81: {  	_ =	shalt  }
0x82: {  	_ =	shalt  }
0x83: {  	_ =	shalt  }
0x84: {  	_ =	shalt  }
0x85: {  	_ =	shalt  }
0x86: {  	_ =	shalt  }
0x87: {  	_ =	shalt  }
.Lfunc_end0:
.L_simem_size_0:
called_computation_lowered:
.L_overlay_start_0:
0x88: {  	s2 =	sld [smem:$0x3FD9]  }
0x89: {  	s3 =	sld [smem:$0x3FFE];
	_ =	sdelay $0x1  }
0x8a: {  	s1 =	srdreg.scid  }
0x8b: {  	s0 =	sand.u32 $0x1, s1  }
0x8c: {  	s17 =	sshll.u32 s0, $0xA;
	s2 =	sadd.s32 s3, s2  }
0x8d: {  	s2 =	sadd.s32 s2, s17  }
0x8e: {  	[smem:$0x3FC5] =	sst s2  }
0x8f: {  	_ = 	snop  }
0x90: {  	s2 =	sld [smem:$0x3FC9]  }
0x91: {  	s18 =	sld [smem:$0x3FD0];
	(tm) =	ssettm $0x1  }
0x92: {  	s4 =	sld [smem:$0x3FFB];
	_ =	sdelay $0x3  }
0x93: {  	_ =	strace s4  }
0x94: {  	s4 =	sld [smem:$0x3FFC];
	_ =	sdelay $0x3  }
0x95: {  	_ =	strace s4  }
0x96: {  	s4 =	sld [smem:$0x3FFD];
	_ =	sdelay $0x3  }
0x97: {  	_ =	strace s4  }
0x98: {  	_ =	strace $0x8FFFFFFF  }
0x99: {  	s19 =	sld [smem:$0x3FDB];
	_ =	sdelay $0x1  }
0x9a: {  	s5 =	simm.s32 $_scs_section_size  }
0x9b: {  	s6 =	simm.s32 $_size__tile_overlayer_lowered;
	s7 =	simm.s32 $_tile_overlayer_lowered  }
0x9c: {  	s22 =	simm.s32 $0x1BFF;
	s21 =	sshll.u32 s7, $0x1;
	s4 =	sadd.s32 s5, s19  }
0x9d: {  	s8 =	simm.s32 $0x0;
	s20 =	sshll.u32 s6, $0x1;
	s6 =	sadd.s32 s21, s4  }
0x9e: {  	[timem:s8], [sflag:s22] =	dma.local [hbm:s6], s20  }
0x9f: {  	_ =	swait.ge [sflag:s22], s20  }
0xa0: {  	s5 =	ssub.s32 $0x0, s20;
	[sflag:s22] =	ssyncset.done $0x0  }
0xa1: {  	[sflag:s22] =	ssyncadd.s32 s5;
	_ =	sdelay $0x1  }
0xa2: {  	s23 =	simm.s32 $0x1B8B  }
0xa3: {  	_ =	swait.ge [sflag:s23], $0x1  }
0xa4: {  	[sflag:s23] =	ssyncset.done $0x0  }
0xa5: {  	s25 =	simm.s32 $0x1B8E;
	s24 =	sld [smem:$0x3FFE];
	[sflag:s23] =	ssyncadd.s32 $0xFFFFFFFF  }
0xa6: {  	s26 =	simm.s32 $execute0_lowered;
	[smem:$0x3FD2] =	sst s25  }
0xa7: {  	s6 =	sshll.u32 s26, $0x1;
	_ =	strace $0x80000046;
	[dreg:$0x1] =	wrdreg $0xFFFFFFFF  }
0xa8: {  	s28 =	simm.s32 $_size_execute0_lowered;
	s4 =	sadd.s32 s4, s6;
	[dreg:$0x0] =	wrdreg $0x0  }
0xa9: {  	s6 =	sshll.u32 s28, $0x1;
	[dreg:$0x2] =	wrdreg s4  }
0xaa: {  	[dreg:$0x3] =	wrdreg s6  }
0xab: {  	[dreg:$0x4] =	wrdreg $0xC0  }
0xac: {  	_ =	task [dreg:s8], $0x5FFFF  }
0xad: {  	[dreg:$0x1] =	wrdreg $0xFFFFFFFF  }
0xae: {  	[dreg:$0x0] =	wrdreg $0x60  }
0xaf: {  	[dreg:$0x2] =	wrdreg s2  }
0xb0: {  	[dreg:$0x3] =	wrdreg s24  }
0xb1: {  	[dreg:$0x4] =	wrdreg s18  }
0xb2: {  	[dreg:$0x5] =	wrdreg $0x6C000  }
0xb3: {  	[dreg:$0x6] =	wrdreg $0x9  }
0xb4: {  	_ =	task.clear_ibuf [dreg:s8], $0x7FFFF;
	_ =	strace $0x90000046  }
0xb5: {  	s29 =	simm.s32 $0x9;
	_ =	strace $0x80000048  }
0xb6: {  	_ =	swait.ge [sflag:s29], $0x1  }
0xb7: {  	[sflag:s29] =	ssyncadd.s32 $0xFFFFFFFF  }
0xb8: {  	_ =	strace $0x90000048  }
0xb9: {  	_ =	sfence  }
0xba: {  	s30 =	sld [smem:$0x0];
	_ =	sdelay $0x2  }
0xbb: {  	s31 =	sshll.u32 s1, $0xD;
	s1 =	sshrl.u32 s1, $0x2  }
0xbc: {  	s3 =	sand.u32 $0x4000, s31;
	s1 =	sadd.s32 s1, s30  }
0xbd: {  	s0 =	sor.u32 s3, s0;
	s1 =	sshll.u32 s1, $0x11  }
0xbe: {  	s0 =	sor.u32 s1, s0  }
0xbf: {  	s0 =	sadd.s32 $0x8F2B, s0  }
0xc0: {  	[sflag:s0] =	ssyncadd.remote.s32 $0x1  }
0xc1: {  	_ =	sfence.sel $0xFFFF  }
0xc2: {  	[dreg:$0x0] =	wrdreg $0xFFFFFFFF;
	(pc) =	sbr.abs _section_cstart, $3  }
0xc3: {  	[dreg:$0x1] =	wrdreg $0xFFFFFFFF  }
0xc4: {  	_ =	task.clear_ibuf [dreg:s8], $0x2FFFF;
	_ =	strace $0x9FFFFFFF  }
0xc5: {  	(tm) =	ssettm $0x7FFFFFFF  }
tec
execute0_lowered:
.L_overlay_start_1:
0x0: {  	(tag) =	ssettag $0x1  }
0x1: {  	s0 =	rddreg [dreg:$0x0]  }
0x2: {  	s1 =	rddreg [dreg:$0x1]  }
0x3: {  	s3 =	rddreg [dreg:$0x2]  }
0x4: {  	s2 =	rddreg [dreg:$0x3];
	s7 =	simm.s32 $0x0  }
0x5: {  	s10 =	stileid.u32;
	s24 =	simm.s32 $0x100;
	[smem:$0x7FF] =	sst s7  }
0x6: {  	s26 =	simm.s32 $0x200;
	_ =	strace $0x80000047;
	[dreg:$0x6] =	wrdreg s24  }
0x7: {  	s28 =	simm.s32 $0x300;
	s5 =	smul.u32 $0xC400, s10;
	[dreg:$0x7] =	wrdreg s26  }
0x8: {  	s29 =	simm.s32 $0x400;
	s9 =	smul.u32 $0x3180, s10;
	[dreg:$0x8] =	wrdreg s28  }
0x9: {  	s25 =	sshll.u32 s10, $0x6;
	s10 =	simm.s32 $0x700;
	[dreg:$0x9] =	wrdreg s29  }
0xa: {  	s11 =	simm.s32 $0x800;
	[dreg:$0xc] =	wrdreg s10  }
0xb: {  	s12 =	simm.s32 $0x900;
	[dreg:$0xd] =	wrdreg s11  }
0xc: {  	s4 =	srdreg.scid;
	s13 =	simm.s32 $0xA00;
	[dreg:$0xe] =	wrdreg s12  }
0xd: {  	s14 =	simm.s32 $0xB00;
	s15 =	simm.s32 $0x180;
	[dreg:$0xf] =	wrdreg s13  }
0xe: {  	s16 =	simm.s32 $0x280;
	s17 =	simm.s32 $0x380;
	[dreg:$0x10] =	wrdreg s14  }
0xf: {  	s18 =	simm.s32 $0x480;
	s19 =	simm.s32 $0x580;
	[dreg:$0x11] =	wrdreg s15  }
0x10: {  	s20 =	simm.s32 $0x680;
	s30 =	simm.s32 $0x2C00;
	[dreg:$0x12] =	wrdreg s16  }
0x11: {  	s31 =	simm.s32 $0x3400;
	s4 =	sand.u32 $0x1, s4;
	[dreg:$0x13] =	wrdreg s17  }
0x12: {  	s6 =	smul.u32 $0xC4000, s4;
	s8 =	ssub.s32 $0x2, s4;
	[dreg:$0x14] =	wrdreg s18  }
0x13: {  	s4 =	smul.u32 $0x18800, s4;
	s24 =	simm.s32 $0x1A;
	[dreg:$0x15] =	wrdreg s19  }
0x14: {  	s12 =	simm.s32 $0x80;
	[dreg:$0x16] =	wrdreg s20;
	s26 =	simm.s32 $0x980  }
0x15: {  	s28 =	simm.s32 $0xA80;
	s29 =	simm.s32 $0xB80;
	s10 =	simm.s32 $0xF  }
0x16: {  	s13 =	simm.s32 $0x11;
	s14 =	simm.s32 $0x12;
	s15 =	simm.s32 $0x13  }
0x17: {  	s16 =	simm.s32 $0x14;
	s17 =	simm.s32 $0x15;
	s18 =	simm.s32 $0x16  }
0x18: {  	s19 =	simm.s32 $0x17;
	s20 =	simm.s32 $0x18;
	[dreg:$0x19] =	wrdreg s26  }
0x19: {  	s21 =	sshrl.u32 s5, $0x3;
	s22 =	sshrl.u32 s8, $0x1;
	[dreg:$0x1a] =	wrdreg s28  }
0x1a: {  	s0 =	sadd.s32 s9, s0;
	[dreg:$0x1b] =	wrdreg s29;
	s7 =	sadd.s32 s21, s1  }
0x1b: {  	s8 =	ssub.s32 s8, s22;
	[dreg:$0x5] =	wrdreg s0;
	s21 =	simm.s32 $0x780  }
0x1c: {  	s22 =	sor.u32 $0x1C1A, s25;
	s25 =	simm.s32 $0x880;
	[dreg:$0x17] =	wrdreg s21  }
0x1d: {  	s6 =	sadd.s32 s5, s6;
	s5 =	sadd.s32 s5, s2;
	[dreg:$0x18] =	wrdreg s25  }
0x1e: {  	s0 =	simm.s32 $0x0;
	s23 =	sadd.s32 $0x600, s7;
	[dreg:$0x1d] =	wrdreg s22  }
0x1f: {  	s6 =	sshrl.u32 s6, $0x3;
	s9 =	smax.u32 s8, $0x1;
	[dreg:$0x1c] =	wrdreg s23  }
0x20: {  	s7 =	simm.s32 $0x600;
	s1 =	sadd.s32 s6, s1;
	[dreg:$0x1f] =	wrdreg s9  }
0x21: {  	s6 =	sadd.s32 s3, s4;
	s4 =	simm.s32 $0x500;
	[dreg:$0xb] =	wrdreg s7  }
0x22: {  	s21 =	simm.s32 $0x19;
	s23 =	sshrl.u32 s5, $0x3;
	[dreg:$0xa] =	wrdreg s4  }
0x23: {  	s5 =	simm.s32 $0xD;
	s1 =	sadd.s32 $0x18E00, s1;
	[smem:$0x7FD] =	sst s23  }
0x24: {  	s9 =	simm.s32 $0xE;
	s3 =	simm.s32 $0x10;
	[dreg:$0x1e] =	wrdreg s1  }
.LBB2_1:
0x25: {  	[smem:$0x7FC] =	sst s0  }
0x26: {  	s11 =	rddreg [dreg:$0x1c]  }
0x27: {  	[spmem:s23], [sflag:s22] =	dma.local [hbm:s11], $0x1880  }
0x28: {  	_ =	swait.ge [sflag:s24], $0x1880  }
0x29: {  	[sflag:s24] =	ssyncset.done $0x0  }
0x2a: {  	[sflag:s24] =	ssyncadd.s32 $0xFFFFE780  }
0x2b: {  	[bflag:$0x0] =	sbarrier.arrive $0xFFFF  }
0x2c: {  	s26 =	rddreg [dreg:$0x5]  }
0x2d: {  	s28 =	simm.s32 $0x0;
	s29 =	simm.s32 $0x1;
	s22 =	sadd.s32 $0x0, s26  }
0x2e: {  	[tilespmem:s28], [sflag:$0x1] =	stream.linear.gather [hbm4b:s22+s28], $0xC00, $0x38;
	[tilespmem:$0x13000] =	vst v63  }
0x2f: {  	_ =	swait.ge [sflag:s29], $0xC00  }
0x30: {  	[sflag:s29] =	ssyncset.done $0x0  }
0x31: {  	s24 =	simm.s32 $0xC00;
	[sflag:s29] =	ssyncadd.s32 $0xFFFFF400  }
0x32: {  	[tilespmem:s24], [sflag:$0x2] =	stream.indirect.gather [hbm4b:s6+s12], $0x10, s28, s12, $0xb8;
	[tilespmem:$0x13000] =	vst v63  }
0x33: {  	s11 =	simm.s32 $0x1400;
	s0 =	rddreg [dreg:$0x6]  }
0x34: {  	[tilespmem:s11], [sflag:$0x3] =	stream.indirect.gather [hbm4b:s6+s12], $0x10, s0, s12, $0xb8;
	[tilespmem:$0x13000] =	vst v63  }
0x35: {  	s25 =	simm.s32 $0x1C00;
	s1 =	rddreg [dreg:$0x7]  }
0x36: {  	[tilespmem:s25], [sflag:$0x4] =	stream.indirect.gather [hbm4b:s6+s12], $0x10, s1, s12, $0xb8;
	[tilespmem:$0x13000] =	vst v63  }
0x37: {  	s26 =	simm.s32 $0x2400;
	s4 =	rddreg [dreg:$0x8]  }
0x38: {  	[tilespmem:s26], [sflag:$0x5] =	stream.indirect.gather [hbm4b:s6+s12], $0x10, s4, s12, $0xb8;
	[tilespmem:$0x13000] =	vst v63  }
0x39: {  	s7 =	rddreg [dreg:$0x9];
	s28 =	simm.s32 $0x2C00  }
0x3a: {  	[tilespmem:s28], [sflag:$0x6] =	stream.indirect.gather [hbm4b:s6+s12], $0x10, s7, s12, $0xb8;
	[tilespmem:$0x13000] =	vst v63  }
0x3b: {  	s8 =	rddreg [dreg:$0xa];
	s29 =	simm.s32 $0x3400  }
0x3c: {  	[tilespmem:s29], [sflag:$0x7] =	stream.indirect.gather [hbm4b:s6+s12], $0x10, s8, s12, $0xb8;
	[tilespmem:$0x13000] =	vst v63  }
0x3d: {  	s0 =	rddreg [dreg:$0xb];
	s1 =	simm.s32 $0x3C00  }
0x3e: {  	[tilespmem:s1], [sflag:$0x8] =	stream.indirect.gather [hbm4b:s6+s12], $0x10, s0, s12, $0xb8;
	[tilespmem:$0x13000] =	vst v63  }
0x3f: {  	s4 =	rddreg [dreg:$0xc];
	s0 =	simm.s32 $0x4400  }
0x40: {  	[tilespmem:s0], [sflag:$0x9] =	stream.indirect.gather [hbm4b:s6+s12], $0x10, s4, s12, $0xb8;
	[tilespmem:$0x13000] =	vst v63  }
0x41: {  	s7 =	rddreg [dreg:$0xd];
	s4 =	simm.s32 $0x4C00  }
0x42: {  	[tilespmem:s4], [sflag:$0xA] =	stream.indirect.gather [hbm4b:s6+s12], $0x10, s7, s12, $0xb8;
	[tilespmem:$0x13000] =	vst v63  }
0x43: {  	s8 =	rddreg [dreg:$0xe];
	s7 =	simm.s32 $0x5400  }
0x44: {  	[tilespmem:s7], [sflag:$0xB] =	stream.indirect.gather [hbm4b:s6+s12], $0x10, s8, s12, $0xb8;
	[tilespmem:$0x13000] =	vst v63  }
0x45: {  	s23 =	rddreg [dreg:$0xf];
	s8 =	simm.s32 $0x5C00  }
0x46: {  	[tilespmem:s8], [sflag:$0xC] =	stream.indirect.gather [hbm4b:s6+s12], $0x10, s23, s12, $0xb8;
	[tilespmem:$0x13000] =	vst v63  }
0x47: {  	s22 =	rddreg [dreg:$0x10];
	s23 =	simm.s32 $0x6400  }
0x48: {  	[tilespmem:s23], [sflag:$0xD] =	stream.indirect.gather [hbm4b:s6+s12], $0x10, s22, s12, $0xb8;
	[tilespmem:$0x13000] =	vst v63  }
0x49: {  	s22 =	simm.s32 $0x2  }
0x4a: {  	_ =	swait.ge [sflag:s22], $0x800  }
0x4b: {  	[sflag:s22] =	ssyncset.done $0x0  }
0x4c: {  	[sflag:s22] =	ssyncadd.s32 $0xFFFFF800  }
0x4d: {  	[spmem:s2] =	stream.indirect.scatter.add.f32 [tilespmem:s24], [sflag:$0xE], $0x10, s12, s12, $0xb8;
	[tilespmem:$0x13000] =	vst v63  }
0x4e: {  	s24 =	simm.s32 $0x3  }
0x4f: {  	_ =	swait.ge [sflag:s24], $0x800  }
0x50: {  	[sflag:s24] =	ssyncset.done $0x0  }
0x51: {  	s22 =	rddreg [dreg:$0x11];
	[sflag:s24] =	ssyncadd.s32 $0xFFFFF800  }
0x52: {  	[spmem:s2] =	stream.indirect.scatter.add.f32 [tilespmem:s11], [sflag:$0xF], $0x10, s22, s12, $0xb8;
	[tilespmem:$0x13000] =	vst v63  }
0x53: {  	s22 =	simm.s32 $0x4  }
0x54: {  	_ =	swait.ge [sflag:s22], $0x800  }
0x55: {  	[sflag:s22] =	ssyncset.done $0x0  }
0x56: {  	s24 =	rddreg [dreg:$0x12];
	[sflag:s22] =	ssyncadd.s32 $0xFFFFF800;
	s22 =	simm.s32 $0x5  }
0x57: {  	[spmem:s2] =	stream.indirect.scatter.add.f32 [tilespmem:s25], [sflag:$0x10], $0x10, s24, s12, $0xb8;
	[tilespmem:$0x13000] =	vst v63  }
0x58: {  	_ =	swait.ge [sflag:s22], $0x800  }
0x59: {  	[sflag:s22] =	ssyncset.done $0x0  }
0x5a: {  	s25 =	simm.s32 $0x6;
	s24 =	rddreg [dreg:$0x13];
	[sflag:s22] =	ssyncadd.s32 $0xFFFFF800  }
0x5b: {  	[spmem:s2] =	stream.indirect.scatter.add.f32 [tilespmem:s26], [sflag:$0x11], $0x10, s24, s12, $0xb8;
	[tilespmem:$0x13000] =	vst v63  }
0x5c: {  	_ =	swait.ge [sflag:s25], $0x800  }
0x5d: {  	[sflag:s25] =	ssyncset.done $0x0  }
0x5e: {  	s22 =	simm.s32 $0x7;
	s26 =	rddreg [dreg:$0x14];
	[sflag:s25] =	ssyncadd.s32 $0xFFFFF800  }
0x5f: {  	[spmem:s2] =	stream.indirect.scatter.add.f32 [tilespmem:s28], [sflag:$0x12], $0x10, s26, s12, $0xb8;
	[tilespmem:$0x13000] =	vst v63  }
0x60: {  	_ =	swait.ge [sflag:s22], $0x800  }
0x61: {  	[sflag:s22] =	ssyncset.done $0x0  }
0x62: {  	s25 =	simm.s32 $0x8;
	s24 =	rddreg [dreg:$0x15];
	[sflag:s22] =	ssyncadd.s32 $0xFFFFF800  }
0x63: {  	[spmem:s2] =	stream.indirect.scatter.add.f32 [tilespmem:s29], [sflag:$0x13], $0x10, s24, s12, $0xb8;
	[tilespmem:$0x13000] =	vst v63  }
0x64: {  	_ =	swait.ge [sflag:s25], $0x800  }
0x65: {  	[sflag:s25] =	ssyncset.done $0x0  }
0x66: {  	s28 =	simm.s32 $0x9;
	s26 =	rddreg [dreg:$0x16];
	[sflag:s25] =	ssyncadd.s32 $0xFFFFF800  }
0x67: {  	[spmem:s2] =	stream.indirect.scatter.add.f32 [tilespmem:s1], [sflag:$0x14], $0x10, s26, s12, $0xb8;
	[tilespmem:$0x13000] =	vst v63  }
0x68: {  	_ =	swait.ge [sflag:s28], $0x800  }
0x69: {  	[sflag:s28] =	ssyncset.done $0x0  }
0x6a: {  	s1 =	simm.s32 $0xA;
	s29 =	rddreg [dreg:$0x17];
	[sflag:s28] =	ssyncadd.s32 $0xFFFFF800  }
0x6b: {  	[spmem:s2] =	stream.indirect.scatter.add.f32 [tilespmem:s0], [sflag:$0x15], $0x10, s29, s12, $0xb8;
	[tilespmem:$0x13000] =	vst v63  }
0x6c: {  	_ =	swait.ge [sflag:s1], $0x800  }
0x6d: {  	[sflag:s1] =	ssyncset.done $0x0  }
0x6e: {  	s24 =	simm.s32 $0xB;
	s11 =	rddreg [dreg:$0x18];
	[sflag:s1] =	ssyncadd.s32 $0xFFFFF800  }
0x6f: {  	[spmem:s2] =	stream.indirect.scatter.add.f32 [tilespmem:s4], [sflag:$0x16], $0x10, s11, s12, $0xb8;
	[tilespmem:$0x13000] =	vst v63  }
0x70: {  	_ =	swait.ge [sflag:s24], $0x800  }
0x71: {  	[sflag:s24] =	ssyncset.done $0x0  }
0x72: {  	s26 =	simm.s32 $0xC;
	s25 =	rddreg [dreg:$0x19];
	[sflag:s24] =	ssyncadd.s32 $0xFFFFF800  }
0x73: {  	[spmem:s2] =	stream.indirect.scatter.add.f32 [tilespmem:s7], [sflag:$0x17], $0x10, s25, s12, $0xb8;
	[tilespmem:$0x13000] =	vst v63  }
0x74: {  	_ =	swait.ge [sflag:s26], $0x800  }
0x75: {  	[sflag:s26] =	ssyncset.done $0x0  }
0x76: {  	s28 =	rddreg [dreg:$0x1a];
	[sflag:s26] =	ssyncadd.s32 $0xFFFFF800  }
0x77: {  	[spmem:s2] =	stream.indirect.scatter.add.f32 [tilespmem:s8], [sflag:$0x18], $0x10, s28, s12, $0xb8;
	[tilespmem:$0x13000] =	vst v63  }
0x78: {  	_ =	swait.ge [sflag:s5], $0x800  }
0x79: {  	[sflag:s5] =	ssyncset.done $0x0  }
0x7a: {  	s29 =	rddreg [dreg:$0x1b];
	[sflag:s5] =	ssyncadd.s32 $0xFFFFF800  }
0x7b: {  	[spmem:s2] =	stream.indirect.scatter.add.f32 [tilespmem:s23], [sflag:$0x19], $0x10, s29, s12, $0xb8;
	[tilespmem:$0x13000] =	vst v63  }
0x7c: {  	_ =	swait.ge [sflag:s9], $0x800  }
0x7d: {  	[sflag:s9] =	ssyncset.done $0x0  }
0x7e: {  	[sflag:s9] =	ssyncadd.s32 $0xFFFFF800  }
0x7f: {  	_ =	swait.ge [sflag:s10], $0x800  }
0x80: {  	[sflag:s10] =	ssyncset.done $0x0  }
0x81: {  	[sflag:s10] =	ssyncadd.s32 $0xFFFFF800  }
0x82: {  	_ =	swait.ge [sflag:s3], $0x800  }
0x83: {  	[sflag:s3] =	ssyncset.done $0x0  }
0x84: {  	[sflag:s3] =	ssyncadd.s32 $0xFFFFF800  }
0x85: {  	_ =	swait.ge [sflag:s13], $0x800  }
0x86: {  	[sflag:s13] =	ssyncset.done $0x0  }
0x87: {  	[sflag:s13] =	ssyncadd.s32 $0xFFFFF800  }
0x88: {  	_ =	swait.ge [sflag:s14], $0x800  }
0x89: {  	[sflag:s14] =	ssyncset.done $0x0  }
0x8a: {  	[sflag:s14] =	ssyncadd.s32 $0xFFFFF800  }
0x8b: {  	_ =	swait.ge [sflag:s15], $0x800  }
0x8c: {  	[sflag:s15] =	ssyncset.done $0x0  }
0x8d: {  	[sflag:s15] =	ssyncadd.s32 $0xFFFFF800  }
0x8e: {  	_ =	swait.ge [sflag:s16], $0x800  }
0x8f: {  	[sflag:s16] =	ssyncset.done $0x0  }
0x90: {  	[sflag:s16] =	ssyncadd.s32 $0xFFFFF800  }
0x91: {  	_ =	swait.ge [sflag:s17], $0x800  }
0x92: {  	[sflag:s17] =	ssyncset.done $0x0  }
0x93: {  	[sflag:s17] =	ssyncadd.s32 $0xFFFFF800  }
0x94: {  	_ =	swait.ge [sflag:s18], $0x800  }
0x95: {  	[sflag:s18] =	ssyncset.done $0x0  }
0x96: {  	[sflag:s18] =	ssyncadd.s32 $0xFFFFF800  }
0x97: {  	_ =	swait.ge [sflag:s19], $0x800  }
0x98: {  	[sflag:s19] =	ssyncset.done $0x0  }
0x99: {  	[sflag:s19] =	ssyncadd.s32 $0xFFFFF800  }
0x9a: {  	_ =	swait.ge [sflag:s20], $0x800  }
0x9b: {  	[sflag:s20] =	ssyncset.done $0x0  }
0x9c: {  	[sflag:s20] =	ssyncadd.s32 $0xFFFFF800  }
0x9d: {  	s22 =	simm.s32 $0x180;
	_ =	swait.ge [sflag:s21], $0x800  }
0x9e: {  	s23 =	simm.s32 $0x300;
	s24 =	rddreg [dreg:$0x5];
	[sflag:s21] =	ssyncset.done $0x0  }
.LBB2_2:
0x9f: {  	[sflag:s21] =	ssyncadd.s32 $0xFFFFF800  }
0xa0: {  	s24 =	sadd.s32 s22, s24;
	s25 =	simm.s32 $0x0;
	s29 =	simm.s32 $0x1  }
0xa1: {  	[tilespmem:s25], [sflag:$0x1] =	stream.linear.gather [hbm4b:s24+s25], $0xC00, $0x38;
	[tilespmem:$0x13000] =	vst v63  }
0xa2: {  	_ =	swait.ge [sflag:s29], $0xC00  }
0xa3: {  	[sflag:s29] =	ssyncset.done $0x0  }
0xa4: {  	s26 =	simm.s32 $0xC00;
	[sflag:s29] =	ssyncadd.s32 $0xFFFFF400  }
0xa5: {  	[tilespmem:s26], [sflag:$0x2] =	stream.indirect.gather [hbm4b:s6+s12], $0x10, s25, s12, $0xb8;
	[tilespmem:$0x13000] =	vst v63  }
0xa6: {  	s0 =	rddreg [dreg:$0x6];
	s25 =	simm.s32 $0x1400  }
0xa7: {  	[tilespmem:s25], [sflag:$0x3] =	stream.indirect.gather [hbm4b:s6+s12], $0x10, s0, s12, $0xb8;
	[tilespmem:$0x13000] =	vst v63  }
0xa8: {  	s28 =	simm.s32 $0x1C00;
	s1 =	rddreg [dreg:$0x7]  }
0xa9: {  	[tilespmem:s28], [sflag:$0x4] =	stream.indirect.gather [hbm4b:s6+s12], $0x10, s1, s12, $0xb8;
	[tilespmem:$0x13000] =	vst v63  }
0xaa: {  	s4 =	rddreg [dreg:$0x8];
	s29 =	simm.s32 $0x2400  }
0xab: {  	[tilespmem:s29], [sflag:$0x5] =	stream.indirect.gather [hbm4b:s6+s12], $0x10, s4, s12, $0xb8;
	[tilespmem:$0x13000] =	vst v63  }
0xac: {  	s7 =	rddreg [dreg:$0x9]  }
0xad: {  	[tilespmem:s30], [sflag:$0x6] =	stream.indirect.gather [hbm4b:s6+s12], $0x10, s7, s12, $0xb8;
	[tilespmem:$0x13000] =	vst v63  }
0xae: {  	s8 =	rddreg [dreg:$0xa]  }
0xaf: {  	[tilespmem:s31], [sflag:$0x7] =	stream.indirect.gather [hbm4b:s6+s12], $0x10, s8, s12, $0xb8;
	[tilespmem:$0x13000] =	vst v63  }
0xb0: {  	s0 =	rddreg [dreg:$0xb];
	s1 =	simm.s32 $0x3C00  }
0xb1: {  	[tilespmem:s1], [sflag:$0x8] =	stream.indirect.gather [hbm4b:s6+s12], $0x10, s0, s12, $0xb8;
	[tilespmem:$0x13000] =	vst v63  }
0xb2: {  	s4 =	rddreg [dreg:$0xc];
	s0 =	simm.s32 $0x4400  }
0xb3: {  	[tilespmem:s0], [sflag:$0x9] =	stream.indirect.gather [hbm4b:s6+s12], $0x10, s4, s12, $0xb8;
	[tilespmem:$0x13000] =	vst v63  }
0xb4: {  	s7 =	rddreg [dreg:$0xd];
	s4 =	simm.s32 $0x4C00  }
0xb5: {  	[tilespmem:s4], [sflag:$0xA] =	stream.indirect.gather [hbm4b:s6+s12], $0x10, s7, s12, $0xb8;
	[tilespmem:$0x13000] =	vst v63  }
0xb6: {  	s8 =	rddreg [dreg:$0xe];
	s7 =	simm.s32 $0x5400  }
0xb7: {  	[tilespmem:s7], [sflag:$0xB] =	stream.indirect.gather [hbm4b:s6+s12], $0x10, s8, s12, $0xb8;
	[tilespmem:$0x13000] =	vst v63  }
0xb8: {  	s11 =	smov.u32 s23;
	s24 =	rddreg [dreg:$0xf];
	s8 =	simm.s32 $0x5C00  }
0xb9: {  	[tilespmem:s8], [sflag:$0xC] =	stream.indirect.gather [hbm4b:s6+s12], $0x10, s24, s12, $0xb8;
	[tilespmem:$0x13000] =	vst v63  }
0xba: {  	s22 =	smov.u32 s11;
	s11 =	rddreg [dreg:$0x10];
	s24 =	simm.s32 $0x6400  }
0xbb: {  	[tilespmem:s24], [sflag:$0xD] =	stream.indirect.gather [hbm4b:s6+s12], $0x10, s11, s12, $0xb8;
	[tilespmem:$0x13000] =	vst v63  }
0xbc: {  	s11 =	simm.s32 $0x2  }
0xbd: {  	_ =	swait.ge [sflag:s11], $0x800  }
0xbe: {  	[sflag:s11] =	ssyncset.done $0x0  }
0xbf: {  	[sflag:s11] =	ssyncadd.s32 $0xFFFFF800  }
0xc0: {  	[spmem:s2] =	stream.indirect.scatter.add.f32 [tilespmem:s26], [sflag:$0xE], $0x10, s12, s12, $0xb8;
	[tilespmem:$0x13000] =	vst v63  }
0xc1: {  	s26 =	simm.s32 $0x3  }
0xc2: {  	_ =	swait.ge [sflag:s26], $0x800  }
0xc3: {  	[sflag:s26] =	ssyncset.done $0x0  }
0xc4: {  	s11 =	rddreg [dreg:$0x11];
	[sflag:s26] =	ssyncadd.s32 $0xFFFFF800  }
0xc5: {  	[spmem:s2] =	stream.indirect.scatter.add.f32 [tilespmem:s25], [sflag:$0xF], $0x10, s11, s12, $0xb8;
	[tilespmem:$0x13000] =	vst v63  }
0xc6: {  	s11 =	simm.s32 $0x4  }
0xc7: {  	_ =	swait.ge [sflag:s11], $0x800  }
0xc8: {  	[sflag:s11] =	ssyncset.done $0x0  }
0xc9: {  	s26 =	rddreg [dreg:$0x12];
	[sflag:s11] =	ssyncadd.s32 $0xFFFFF800;
	s11 =	simm.s32 $0x5  }
0xca: {  	[spmem:s2] =	stream.indirect.scatter.add.f32 [tilespmem:s28], [sflag:$0x10], $0x10, s26, s12, $0xb8;
	[tilespmem:$0x13000] =	vst v63  }
0xcb: {  	_ =	swait.ge [sflag:s11], $0x800  }
0xcc: {  	[sflag:s11] =	ssyncset.done $0x0  }
0xcd: {  	s28 =	simm.s32 $0x6;
	s26 =	rddreg [dreg:$0x13];
	[sflag:s11] =	ssyncadd.s32 $0xFFFFF800  }
0xce: {  	[spmem:s2] =	stream.indirect.scatter.add.f32 [tilespmem:s29], [sflag:$0x11], $0x10, s26, s12, $0xb8;
	[tilespmem:$0x13000] =	vst v63  }
0xcf: {  	_ =	swait.ge [sflag:s28], $0x800  }
0xd0: {  	[sflag:s28] =	ssyncset.done $0x0  }
0xd1: {  	s11 =	simm.s32 $0x7;
	s29 =	rddreg [dreg:$0x14];
	[sflag:s28] =	ssyncadd.s32 $0xFFFFF800  }
0xd2: {  	[spmem:s2] =	stream.indirect.scatter.add.f32 [tilespmem:s30], [sflag:$0x12], $0x10, s29, s12, $0xb8;
	[tilespmem:$0x13000] =	vst v63  }
0xd3: {  	_ =	swait.ge [sflag:s11], $0x800  }
0xd4: {  	[sflag:s11] =	ssyncset.done $0x0  }
0xd5: {  	s28 =	simm.s32 $0x8;
	s26 =	rddreg [dreg:$0x15];
	[sflag:s11] =	ssyncadd.s32 $0xFFFFF800  }
0xd6: {  	[spmem:s2] =	stream.indirect.scatter.add.f32 [tilespmem:s31], [sflag:$0x13], $0x10, s26, s12, $0xb8;
	[tilespmem:$0x13000] =	vst v63  }
0xd7: {  	_ =	swait.ge [sflag:s28], $0x800  }
0xd8: {  	[sflag:s28] =	ssyncset.done $0x0  }
0xd9: {  	s26 =	simm.s32 $0x9;
	s29 =	rddreg [dreg:$0x16];
	[sflag:s28] =	ssyncadd.s32 $0xFFFFF800  }
0xda: {  	[spmem:s2] =	stream.indirect.scatter.add.f32 [tilespmem:s1], [sflag:$0x14], $0x10, s29, s12, $0xb8;
	[tilespmem:$0x13000] =	vst v63  }
0xdb: {  	_ =	swait.ge [sflag:s26], $0x800  }
0xdc: {  	[sflag:s26] =	ssyncset.done $0x0  }
0xdd: {  	s29 =	simm.s32 $0xA;
	s28 =	rddreg [dreg:$0x17];
	[sflag:s26] =	ssyncadd.s32 $0xFFFFF800  }
0xde: {  	[spmem:s2] =	stream.indirect.scatter.add.f32 [tilespmem:s0], [sflag:$0x15], $0x10, s28, s12, $0xb8;
	[tilespmem:$0x13000] =	vst v63  }
0xdf: {  	_ =	swait.ge [sflag:s29], $0x800  }
0xe0: {  	[sflag:s29] =	ssyncset.done $0x0  }
0xe1: {  	s11 =	simm.s32 $0xB;
	s1 =	rddreg [dreg:$0x18];
	[sflag:s29] =	ssyncadd.s32 $0xFFFFF800  }
0xe2: {  	[spmem:s2] =	stream.indirect.scatter.add.f32 [tilespmem:s4], [sflag:$0x16], $0x10, s1, s12, $0xb8;
	[tilespmem:$0x13000] =	vst v63  }
0xe3: {  	_ =	swait.ge [sflag:s11], $0x800  }
0xe4: {  	[sflag:s11] =	ssyncset.done $0x0  }
0xe5: {  	s26 =	simm.s32 $0xC;
	s25 =	rddreg [dreg:$0x19];
	[sflag:s11] =	ssyncadd.s32 $0xFFFFF800  }
0xe6: {  	[spmem:s2] =	stream.indirect.scatter.add.f32 [tilespmem:s7], [sflag:$0x17], $0x10, s25, s12, $0xb8;
	[tilespmem:$0x13000] =	vst v63  }
0xe7: {  	_ =	swait.ge [sflag:s26], $0x800  }
0xe8: {  	[sflag:s26] =	ssyncset.done $0x0  }
0xe9: {  	s28 =	rddreg [dreg:$0x1a];
	[sflag:s26] =	ssyncadd.s32 $0xFFFFF800  }
0xea: {  	[spmem:s2] =	stream.indirect.scatter.add.f32 [tilespmem:s8], [sflag:$0x18], $0x10, s28, s12, $0xb8;
	[tilespmem:$0x13000] =	vst v63  }
0xeb: {  	_ =	swait.ge [sflag:s5], $0x800  }
0xec: {  	[sflag:s5] =	ssyncset.done $0x0  }
0xed: {  	s29 =	rddreg [dreg:$0x1b];
	[sflag:s5] =	ssyncadd.s32 $0xFFFFF800  }
0xee: {  	[spmem:s2] =	stream.indirect.scatter.add.f32 [tilespmem:s24], [sflag:$0x19], $0x10, s29, s12, $0xb8;
	[tilespmem:$0x13000] =	vst v63  }
0xef: {  	_ =	swait.ge [sflag:s9], $0x800  }
0xf0: {  	[sflag:s9] =	ssyncset.done $0x0  }
0xf1: {  	[sflag:s9] =	ssyncadd.s32 $0xFFFFF800  }
0xf2: {  	_ =	swait.ge [sflag:s10], $0x800  }
0xf3: {  	[sflag:s10] =	ssyncset.done $0x0  }
0xf4: {  	[sflag:s10] =	ssyncadd.s32 $0xFFFFF800  }
0xf5: {  	_ =	swait.ge [sflag:s3], $0x800  }
0xf6: {  	[sflag:s3] =	ssyncset.done $0x0  }
0xf7: {  	[sflag:s3] =	ssyncadd.s32 $0xFFFFF800  }
0xf8: {  	_ =	swait.ge [sflag:s13], $0x800  }
0xf9: {  	[sflag:s13] =	ssyncset.done $0x0  }
0xfa: {  	[sflag:s13] =	ssyncadd.s32 $0xFFFFF800  }
0xfb: {  	_ =	swait.ge [sflag:s14], $0x800  }
0xfc: {  	[sflag:s14] =	ssyncset.done $0x0  }
0xfd: {  	[sflag:s14] =	ssyncadd.s32 $0xFFFFF800  }
0xfe: {  	_ =	swait.ge [sflag:s15], $0x800  }
0xff: {  	[sflag:s15] =	ssyncset.done $0x0  }
0x100: {  	[sflag:s15] =	ssyncadd.s32 $0xFFFFF800  }
0x101: {  	_ =	swait.ge [sflag:s16], $0x800  }
0x102: {  	[sflag:s16] =	ssyncset.done $0x0  }
0x103: {  	[sflag:s16] =	ssyncadd.s32 $0xFFFFF800  }
0x104: {  	_ =	swait.ge [sflag:s17], $0x800  }
0x105: {  	[sflag:s17] =	ssyncset.done $0x0  }
0x106: {  	[sflag:s17] =	ssyncadd.s32 $0xFFFFF800  }
0x107: {  	_ =	swait.ge [sflag:s18], $0x800  }
0x108: {  	[sflag:s18] =	ssyncset.done $0x0  }
0x109: {  	[sflag:s18] =	ssyncadd.s32 $0xFFFFF800  }
0x10a: {  	_ =	swait.ge [sflag:s19], $0x800  }
0x10b: {  	[sflag:s19] =	ssyncset.done $0x0  }
0x10c: {  	p0 =	sne.s32 s23, $0x3000;
	[sflag:s19] =	ssyncadd.s32 $0xFFFFF800  }
.Ltmp0:
0x10d: {  	_ =	swait.ge [sflag:s20], $0x800;
	(pc) =	sbr.rel @p0 .LBB2_2-.Ltmp0, $4  }
0x10e: {  	[sflag:s20] =	ssyncset.done $0x0  }
0x10f: {  	[sflag:s20] =	ssyncadd.s32 $0xFFFFF800  }
0x110: {  	_ =	swait.ge [sflag:s21], $0x800  }
0x111: {  	s23 =	sadd.s32 $0x180, s23;
	s24 =	rddreg [dreg:$0x5];
	[sflag:s21] =	ssyncset.done $0x0  }
0x112: {  	[sflag:s21] =	ssyncadd.s32 $0xFFFFF800  }
0x113: {  	s11 =	sadd.s32 s22, s24;
	s28 =	simm.s32 $0x0;
	s29 =	simm.s32 $0x1  }
0x114: {  	[tilespmem:s28], [sflag:$0x1] =	stream.linear.gather [hbm4b:s11+s28], $0xC00, $0x38;
	[tilespmem:$0x13000] =	vst v63  }
0x115: {  	_ =	swait.ge [sflag:s29], $0xC00  }
0x116: {  	[sflag:s29] =	ssyncset.done $0x0  }
0x117: {  	s23 =	simm.s32 $0xC00;
	[sflag:s29] =	ssyncadd.s32 $0xFFFFF400  }
0x118: {  	[tilespmem:s23], [sflag:$0x2] =	stream.indirect.gather [hbm4b:s6+s12], $0x10, s28, s12, $0xb8;
	[tilespmem:$0x13000] =	vst v63  }
0x119: {  	s24 =	simm.s32 $0x1400;
	s0 =	rddreg [dreg:$0x6]  }
0x11a: {  	[tilespmem:s24], [sflag:$0x3] =	stream.indirect.gather [hbm4b:s6+s12], $0x10, s0, s12, $0xb8;
	[tilespmem:$0x13000] =	vst v63  }
0x11b: {  	s25 =	simm.s32 $0x1C00;
	s1 =	rddreg [dreg:$0x7]  }
0x11c: {  	[tilespmem:s25], [sflag:$0x4] =	stream.indirect.gather [hbm4b:s6+s12], $0x10, s1, s12, $0xb8;
	[tilespmem:$0x13000] =	vst v63  }
0x11d: {  	s26 =	simm.s32 $0x2400;
	s4 =	rddreg [dreg:$0x8]  }
0x11e: {  	[tilespmem:s26], [sflag:$0x5] =	stream.indirect.gather [hbm4b:s6+s12], $0x10, s4, s12, $0xb8;
	[tilespmem:$0x13000] =	vst v63  }
0x11f: {  	s7 =	rddreg [dreg:$0x9];
	s28 =	simm.s32 $0x2C00  }
0x120: {  	[tilespmem:s28], [sflag:$0x6] =	stream.indirect.gather [hbm4b:s6+s12], $0x10, s7, s12, $0xb8;
	[tilespmem:$0x13000] =	vst v63  }
0x121: {  	s8 =	rddreg [dreg:$0xa];
	s29 =	simm.s32 $0x3400  }
0x122: {  	[tilespmem:s29], [sflag:$0x7] =	stream.indirect.gather [hbm4b:s6+s12], $0x10, s8, s12, $0xb8;
	[tilespmem:$0x13000] =	vst v63  }
0x123: {  	s0 =	rddreg [dreg:$0xb];
	s1 =	simm.s32 $0x3C00  }
0x124: {  	[tilespmem:s1], [sflag:$0x8] =	stream.indirect.gather [hbm4b:s6+s12], $0x10, s0, s12, $0xb8;
	[tilespmem:$0x13000] =	vst v63  }
0x125: {  	s4 =	rddreg [dreg:$0xc];
	s0 =	simm.s32 $0x4400  }
0x126: {  	[tilespmem:s0], [sflag:$0x9] =	stream.indirect.gather [hbm4b:s6+s12], $0x10, s4, s12, $0xb8;
	[tilespmem:$0x13000] =	vst v63  }
0x127: {  	s7 =	rddreg [dreg:$0xd];
	s4 =	simm.s32 $0x4C00  }
0x128: {  	[tilespmem:s4], [sflag:$0xA] =	stream.indirect.gather [hbm4b:s6+s12], $0x10, s7, s12, $0xb8;
	[tilespmem:$0x13000] =	vst v63  }
0x129: {  	s8 =	rddreg [dreg:$0xe];
	s7 =	simm.s32 $0x5400  }
0x12a: {  	[tilespmem:s7], [sflag:$0xB] =	stream.indirect.gather [hbm4b:s6+s12], $0x10, s8, s12, $0xb8;
	[tilespmem:$0x13000] =	vst v63  }
0x12b: {  	s22 =	rddreg [dreg:$0xf];
	s8 =	simm.s32 $0x5C00  }
0x12c: {  	[tilespmem:s8], [sflag:$0xC] =	stream.indirect.gather [hbm4b:s6+s12], $0x10, s22, s12, $0xb8;
	[tilespmem:$0x13000] =	vst v63  }
0x12d: {  	s11 =	rddreg [dreg:$0x10];
	s22 =	simm.s32 $0x6400  }
0x12e: {  	[tilespmem:s22], [sflag:$0xD] =	stream.indirect.gather [hbm4b:s6+s12], $0x10, s11, s12, $0xb8;
	[tilespmem:$0x13000] =	vst v63  }
0x12f: {  	s11 =	simm.s32 $0x2  }
0x130: {  	_ =	swait.ge [sflag:s11], $0x800  }
0x131: {  	[sflag:s11] =	ssyncset.done $0x0  }
0x132: {  	[sflag:s11] =	ssyncadd.s32 $0xFFFFF800  }
0x133: {  	[spmem:s2] =	stream.indirect.scatter.add.f32 [tilespmem:s23], [sflag:$0xE], $0x10, s12, s12, $0xb8;
	[tilespmem:$0x13000] =	vst v63  }
0x134: {  	s23 =	simm.s32 $0x3  }
0x135: {  	_ =	swait.ge [sflag:s23], $0x800  }
0x136: {  	[sflag:s23] =	ssyncset.done $0x0  }
0x137: {  	s11 =	rddreg [dreg:$0x11];
	[sflag:s23] =	ssyncadd.s32 $0xFFFFF800  }
0x138: {  	[spmem:s2] =	stream.indirect.scatter.add.f32 [tilespmem:s24], [sflag:$0xF], $0x10, s11, s12, $0xb8;
	[tilespmem:$0x13000] =	vst v63  }
0x139: {  	s11 =	simm.s32 $0x4  }
0x13a: {  	_ =	swait.ge [sflag:s11], $0x800  }
0x13b: {  	[sflag:s11] =	ssyncset.done $0x0  }
0x13c: {  	s24 =	rddreg [dreg:$0x12];
	[sflag:s11] =	ssyncadd.s32 $0xFFFFF800  }
0x13d: {  	[spmem:s2] =	stream.indirect.scatter.add.f32 [tilespmem:s25], [sflag:$0x10], $0x10, s24, s12, $0xb8;
	[tilespmem:$0x13000] =	vst v63  }
0x13e: {  	s24 =	simm.s32 $0x5  }
0x13f: {  	_ =	swait.ge [sflag:s24], $0x800  }
0x140: {  	[sflag:s24] =	ssyncset.done $0x0  }
0x141: {  	s25 =	rddreg [dreg:$0x13];
	[sflag:s24] =	ssyncadd.s32 $0xFFFFF800;
	s24 =	simm.s32 $0x6  }
0x142: {  	[spmem:s2] =	stream.indirect.scatter.add.f32 [tilespmem:s26], [sflag:$0x11], $0x10, s25, s12, $0xb8;
	[tilespmem:$0x13000] =	vst v63  }
0x143: {  	_ =	swait.ge [sflag:s24], $0x800  }
0x144: {  	[sflag:s24] =	ssyncset.done $0x0  }
0x145: {  	s26 =	simm.s32 $0x7;
	s25 =	rddreg [dreg:$0x14];
	[sflag:s24] =	ssyncadd.s32 $0xFFFFF800  }
0x146: {  	[spmem:s2] =	stream.indirect.scatter.add.f32 [tilespmem:s28], [sflag:$0x12], $0x10, s25, s12, $0xb8;
	[tilespmem:$0x13000] =	vst v63  }
0x147: {  	_ =	swait.ge [sflag:s26], $0x800  }
0x148: {  	[sflag:s26] =	ssyncset.done $0x0  }
0x149: {  	s11 =	simm.s32 $0x8;
	s28 =	rddreg [dreg:$0x15];
	[sflag:s26] =	ssyncadd.s32 $0xFFFFF800  }
0x14a: {  	[spmem:s2] =	stream.indirect.scatter.add.f32 [tilespmem:s29], [sflag:$0x13], $0x10, s28, s12, $0xb8;
	[tilespmem:$0x13000] =	vst v63  }
0x14b: {  	_ =	swait.ge [sflag:s11], $0x800  }
0x14c: {  	[sflag:s11] =	ssyncset.done $0x0  }
0x14d: {  	s25 =	simm.s32 $0x9;
	s24 =	rddreg [dreg:$0x16];
	[sflag:s11] =	ssyncadd.s32 $0xFFFFF800  }
0x14e: {  	[spmem:s2] =	stream.indirect.scatter.add.f32 [tilespmem:s1], [sflag:$0x14], $0x10, s24, s12, $0xb8;
	[tilespmem:$0x13000] =	vst v63  }
0x14f: {  	_ =	swait.ge [sflag:s25], $0x800  }
0x150: {  	[sflag:s25] =	ssyncset.done $0x0  }
0x151: {  	s28 =	simm.s32 $0xA;
	s26 =	rddreg [dreg:$0x17];
	[sflag:s25] =	ssyncadd.s32 $0xFFFFF800  }
0x152: {  	[spmem:s2] =	stream.indirect.scatter.add.f32 [tilespmem:s0], [sflag:$0x15], $0x10, s26, s12, $0xb8;
	[tilespmem:$0x13000] =	vst v63  }
0x153: {  	_ =	swait.ge [sflag:s28], $0x800  }
0x154: {  	[sflag:s28] =	ssyncset.done $0x0  }
0x155: {  	s1 =	simm.s32 $0xB;
	s29 =	rddreg [dreg:$0x18];
	[sflag:s28] =	ssyncadd.s32 $0xFFFFF800  }
0x156: {  	[spmem:s2] =	stream.indirect.scatter.add.f32 [tilespmem:s4], [sflag:$0x16], $0x10, s29, s12, $0xb8;
	[tilespmem:$0x13000] =	vst v63  }
0x157: {  	_ =	swait.ge [sflag:s1], $0x800  }
0x158: {  	[sflag:s1] =	ssyncset.done $0x0  }
0x159: {  	s23 =	simm.s32 $0xC;
	s4 =	rddreg [dreg:$0x19];
	[sflag:s1] =	ssyncadd.s32 $0xFFFFF800  }
0x15a: {  	[spmem:s2] =	stream.indirect.scatter.add.f32 [tilespmem:s7], [sflag:$0x17], $0x10, s4, s12, $0xb8;
	[tilespmem:$0x13000] =	vst v63  }
0x15b: {  	_ =	swait.ge [sflag:s23], $0x800  }
0x15c: {  	[sflag:s23] =	ssyncset.done $0x0  }
0x15d: {  	s24 =	rddreg [dreg:$0x1a];
	[sflag:s23] =	ssyncadd.s32 $0xFFFFF800  }
0x15e: {  	[spmem:s2] =	stream.indirect.scatter.add.f32 [tilespmem:s8], [sflag:$0x18], $0x10, s24, s12, $0xb8;
	[tilespmem:$0x13000] =	vst v63  }
0x15f: {  	_ =	swait.ge [sflag:s5], $0x800  }
0x160: {  	[sflag:s5] =	ssyncset.done $0x0  }
0x161: {  	s25 =	rddreg [dreg:$0x1b];
	[sflag:s5] =	ssyncadd.s32 $0xFFFFF800  }
0x162: {  	[spmem:s2] =	stream.indirect.scatter.add.f32 [tilespmem:s22], [sflag:$0x19], $0x10, s25, s12, $0xb8;
	[tilespmem:$0x13000] =	vst v63  }
0x163: {  	_ =	swait.ge [sflag:s9], $0x800  }
0x164: {  	[sflag:s9] =	ssyncset.done $0x0  }
0x165: {  	[sflag:s9] =	ssyncadd.s32 $0xFFFFF800  }
0x166: {  	_ =	swait.ge [sflag:s10], $0x800  }
0x167: {  	[sflag:s10] =	ssyncset.done $0x0  }
0x168: {  	[sflag:s10] =	ssyncadd.s32 $0xFFFFF800  }
0x169: {  	_ =	swait.ge [sflag:s3], $0x800  }
0x16a: {  	[sflag:s3] =	ssyncset.done $0x0  }
0x16b: {  	[sflag:s3] =	ssyncadd.s32 $0xFFFFF800  }
0x16c: {  	_ =	swait.ge [sflag:s13], $0x800  }
0x16d: {  	[sflag:s13] =	ssyncset.done $0x0  }
0x16e: {  	[sflag:s13] =	ssyncadd.s32 $0xFFFFF800  }
0x16f: {  	_ =	swait.ge [sflag:s14], $0x800  }
0x170: {  	[sflag:s14] =	ssyncset.done $0x0  }
0x171: {  	[sflag:s14] =	ssyncadd.s32 $0xFFFFF800  }
0x172: {  	_ =	swait.ge [sflag:s15], $0x800  }
0x173: {  	[sflag:s15] =	ssyncset.done $0x0  }
0x174: {  	[sflag:s15] =	ssyncadd.s32 $0xFFFFF800  }
0x175: {  	_ =	swait.ge [sflag:s16], $0x800  }
0x176: {  	[sflag:s16] =	ssyncset.done $0x0  }
0x177: {  	[sflag:s16] =	ssyncadd.s32 $0xFFFFF800  }
0x178: {  	_ =	swait.ge [sflag:s17], $0x800  }
0x179: {  	[sflag:s17] =	ssyncset.done $0x0  }
0x17a: {  	[sflag:s17] =	ssyncadd.s32 $0xFFFFF800  }
0x17b: {  	_ =	swait.ge [sflag:s18], $0x800  }
0x17c: {  	[sflag:s18] =	ssyncset.done $0x0  }
0x17d: {  	[sflag:s18] =	ssyncadd.s32 $0xFFFFF800  }
0x17e: {  	_ =	swait.ge [sflag:s19], $0x800  }
0x17f: {  	[sflag:s19] =	ssyncset.done $0x0  }
0x180: {  	[sflag:s19] =	ssyncadd.s32 $0xFFFFF800  }
0x181: {  	_ =	swait.ge [sflag:s20], $0x800  }
0x182: {  	[sflag:s20] =	ssyncset.done $0x0  }
0x183: {  	[sflag:s20] =	ssyncadd.s32 $0xFFFFF800  }
0x184: {  	_ =	swait.ge [sflag:s21], $0x800  }
0x185: {  	[sflag:s21] =	ssyncset.done $0x0  }
0x186: {  	[sflag:s21] =	ssyncadd.s32 $0xFFFFF800  }
0x187: {  	[bflag:$0x0] =	sbarrier.arrive $0xFFFF  }
0x188: {  	s23 =	sld [smem:$0x7FD]  }
0x189: {  	s22 =	rddreg [dreg:$0x1d]  }
0x18a: {  	s24 =	simm.s32 $0x1A;
	s26 =	rddreg [dreg:$0x1e]  }
0x18b: {  	[hbm:s26], [sflag:s22] =	dma.local [spmem:s23], $0x1880  }
0x18c: {  	_ =	swait.ge [sflag:s24], $0x1880  }
0x18d: {  	s28 =	sld [smem:$0x7FC];
	_ =	sdelay $0x2  }
0x18e: {  	s29 =	rddreg [dreg:$0x1f];
	s0 =	sadd.s32 $0x1, s28  }
0x18f: {  	p0 =	sne.s32 s0, s29  }
.Ltmp1:
0x190: {  	_ = 	snop;
	(pc) =	sbr.rel @p0 .LBB2_1-.Ltmp1, $3  }
0x191: {  	_ =	sdelay $0x1  }
0x192: {  	[sflag:s24] =	ssyncset.done $0x0  }
0x193: {  	[sflag:s24] =	ssyncadd.s32 $0xFFFFE780  }
0x194: {  	_ =	sfence.sel $0x180000  }
0x195: {  	[bflag:$0x0] =	sbarrier.arrive $0xFFFF  }
0x196: {  	_ =	strace $0x90000047  }
0x197: {  	s0 =	stileid.u32;
	[bflag:$0x2] =	sbarrier.arrive $0xFFFF  }
0x198: {  	p0 =	sne.s32 s0, $0x0;
	s0 =	rddreg [dreg:$0x4]  }
0x199: {  	s0 =	sadd.s32 @!p0 $0x100000, s0  }
0x19a: {  	[sflag:s0] =	ssyncadd.tile.s32 @!p0 $0x1;
	_ =	shalt  }
.Lfunc_end2:
_tile_overlayer_lowered:
.L_overlay_start_2:
0x19b: {  	(tag) =	ssettag $0x2  }
0x19c: {  	s0 =	rddreg [dreg:$0x0];
	s2 =	stileid.u32  }
0x19d: {  	s1 =	rddreg [dreg:$0x1];
	p0 =	sne.s32 s2, $0x0  }
0x19e: {  	s3 =	rddreg [dreg:$0x2];
	[bflag:$0x3] =	sbarrier.arrive $0xFFFF;
	s2 =	simm.s32 @!p0 $0x1C1A  }
0x19f: {  	[timem:s3], [sflag:s2] =	dma.local @!p0 [hbm:s0], s1  }
0x1a0: {  	s0 =	simm.s32 @!p0 $0x1A  }
0x1a1: {  	_ =	swait.ge @!p0 [sflag:s0], s1  }
0x1a2: {  	s1 =	ssub.s32 @!p0 $0x0, s1;
	[sflag:s0] =	ssyncset.done @!p0 $0x0  }
0x1a3: {  	[sflag:s0] =	ssyncadd.s32 @!p0 s1  }
0x1a4: {  	[bflag:$0x3] =	sbarrier.arrive $0xFFFF  }
0x1a5: {  	_ =	shalt  }

</sc_bundles>
